<compile_context>
chip_gen: v7x
topology: tpu7x:2x2x1
jax: 0.10.2.dev20260603
libtpu: 0.0.44.dev20260713+nightly
codegen_flags: <defaults>
</compile_context>

<pallas_src>
import functools
import math

import jax
import jax.numpy as jnp
from jax import lax
from jax.experimental import pallas as pl
from jax.experimental.pallas import tpu as pltpu
from jax.experimental.pallas import tpu_sc as plsc

_LOG2 = math.log(2.0)

B, A, P, G, F = 8, 1024, 32, 16, 128
NPAIR = B * A * P
NW = 32
CH = 128
CHUNKS_PER_W = NPAIR // (NW * CH)
NROW = NPAIR // CH


def _ssp(u):
    return jnp.maximum(u, 0.0) + jnp.log1p(jnp.exp(-jnp.abs(u))) - _LOG2


def _in2f_body(x_ref, w_ref, y_ref):
    y_ref[...] = jnp.dot(x_ref[...], w_ref[...],
                         preferred_element_type=jnp.float32)


def _in2f(x2, w):
    return pl.pallas_call(
        _in2f_body,
        grid=(B,),
        in_specs=[
            pl.BlockSpec((A, F), lambda i: (i, 0)),
            pl.BlockSpec((F, F), lambda i: (0, 0)),
        ],
        out_specs=pl.BlockSpec((A, F), lambda i: (i, 0)),
        out_shape=jax.ShapeDtypeStruct((B * A, F), jnp.float32),
    )(x2, w)


def _sc_gather_mul(y2, idx_j, idx_k):
    mesh = plsc.VectorSubcoreMesh(core_axis_name="c", subcore_axis_name="s")

    nbuf = 2
    cw = CHUNKS_PER_W

    @functools.partial(
        pl.kernel,
        out_type=jax.ShapeDtypeStruct((NROW, CH, F), jnp.float32),
        mesh=mesh,
        scratch_types=[
            pltpu.VMEM((cw, CH), jnp.int32),
            pltpu.VMEM((cw, CH), jnp.int32),
            [pltpu.VMEM((CH, F), jnp.float32)] * nbuf,
            [pltpu.VMEM((CH, F), jnp.float32)] * nbuf,
            [pltpu.SemaphoreType.DMA] * nbuf,
            pltpu.SemaphoreType.DMA,
        ],
    )
    def body(y2_hbm, ij_hbm, ik_hbm, g_hbm,
             ij_v, ik_v, rjs, rks, sems, s_ix):
        wid = lax.axis_index("s") * 2 + lax.axis_index("c")
        row0 = wid * cw
        ci = pltpu.async_copy(ij_hbm.at[pl.ds(row0, cw)], ij_v, s_ix)
        ck = pltpu.async_copy(ik_hbm.at[pl.ds(row0, cw)], ik_v, s_ix)
        ci.wait()
        ck.wait()

        def gather(c, b):
            pltpu.async_copy(y2_hbm.at[ij_v.at[c]], rjs[b], sems[b])
            pltpu.async_copy(y2_hbm.at[ik_v.at[c]], rks[b], sems[b])

        def drain(c, b):
            pltpu.make_async_copy(y2_hbm.at[ij_v.at[c]], rjs[b], sems[b]).wait()
            pltpu.make_async_copy(y2_hbm.at[ik_v.at[c]], rks[b], sems[b]).wait()

        def process(c, b):
            drain(c, b)
            rj_v, rk_v = rjs[b], rks[b]

            def mulrow(r, carry2):
                for cc in range(F // 16):
                    sl = pl.ds(cc * 16, 16)
                    rj_v[r, sl] = rj_v[r, sl] * rk_v[r, sl]
                return carry2

            lax.fori_loop(0, CH, mulrow, 0, unroll=2)
            pltpu.sync_copy(rj_v, g_hbm.at[row0 + c])

        gather(0, 0)

        def step(t, carry):
            c0 = 2 * t
            gather(c0 + 1, 1)
            process(c0, 0)
            nxt = jnp.minimum(c0 + 2, cw - 2)
            gather(nxt, 0)
            process(c0 + 1, 1)
            return carry

        lax.fori_loop(0, cw // 2, step, 0)
        drain(cw - 2, 0)

    return body(y2, idx_j, idx_k)


def _tc2_body(r2_ref, g_ref, m_ref, w1_ref, b1_ref, w2_ref, b2_ref,
              wo_ref, bo_ref, out_ref, *, ablk):
    r2 = r2_ref[0]
    h = jnp.dot(r2, w1_ref[...], preferred_element_type=jnp.float32)
    h = _ssp(h + b1_ref[...])
    w = jnp.dot(h, w2_ref[...], preferred_element_type=jnp.float32)
    w = w + b2_ref[...]
    wg = w * g_ref[...]
    wg = wg.reshape(ablk, P, F) * m_ref[0][:, :, None]
    agg = jnp.sum(wg, axis=1)
    out = jnp.dot(agg, wo_ref[...], preferred_element_type=jnp.float32)
    out_ref[0] = _ssp(out + bo_ref[...])


def _tc2(r2, g2, mask, w1, b1, w2, b2, wo, bo, ablk=256):
    nblk = A // ablk
    bp = ablk * P
    body = functools.partial(_tc2_body, ablk=ablk)
    return pl.pallas_call(
        body,
        grid=(B, nblk),
        in_specs=[
            pl.BlockSpec((1, bp, G), lambda i, j: (i, j, 0)),
            pl.BlockSpec((bp, F), lambda i, j: (i * nblk + j, 0)),
            pl.BlockSpec((1, ablk, P), lambda i, j: (i, j, 0)),
            pl.BlockSpec((G, F), lambda i, j: (0, 0)),
            pl.BlockSpec((1, F), lambda i, j: (0, 0)),
            pl.BlockSpec((F, F), lambda i, j: (0, 0)),
            pl.BlockSpec((1, F), lambda i, j: (0, 0)),
            pl.BlockSpec((F, F), lambda i, j: (0, 0)),
            pl.BlockSpec((1, F), lambda i, j: (0, 0)),
        ],
        out_specs=pl.BlockSpec((1, ablk, F), lambda i, j: (i, j, 0)),
        out_shape=jax.ShapeDtypeStruct((B, A, F), jnp.float32),
    )(r2, g2, mask, w1, b1, w2, b2, wo, bo)


def kernel(x, r_ij, neighbors_j, neighbors_k, pairwise_mask,
           W1f, b1f, W2f, b2f, W_in2f, W_f2out, b_f2out):
    x2 = x.reshape(B * A, F)
    y2 = _in2f(x2, W_in2f)

    boff = (jnp.arange(B, dtype=jnp.int32) * A)[:, None, None]
    ij = (neighbors_j + boff).reshape(NROW, CH)
    ik = (neighbors_k + boff).reshape(NROW, CH)

    g = _sc_gather_mul(y2, ij, ik)
    g2 = g.reshape(NPAIR, F)

    r2 = r_ij.reshape(B, A * P, G)
    out = _tc2(r2, g2, pairwise_mask,
               W1f, b1f.reshape(1, F), W2f, b2f.reshape(1, F),
               W_f2out, b_f2out.reshape(1, F))
    return out

# --- scband reference (transcript-rebuilt; emitter-appended) ---
"""Pipeline reference for scband-cfconv-angular-2774548873970 (READ-ONLY COPY).

The authoritative reference and input builder live on the scoring server;
editing this copy changes nothing except your own understanding.
"""

import jax, jax.numpy as jnp
import numpy as np


def ssp(u):
    # shifted softplus, standard SchNet activation
    return jax.nn.softplus(u) - jnp.log(2.0)


def setup_inputs(seed: int = 0) -> dict:
    key = jax.random.key(seed)
    ks = jax.random.split(key, 12)
    B, A, P = 8, 1024, 32
    n_in, n_filters, n_out, n_gauss = 128, 128, 128, 16
    x = jax.random.normal(ks[0], (B, A, n_in), dtype=jnp.float32)
    r_ij = jax.random.uniform(ks[1], (B, A, P, n_gauss), dtype=jnp.float32)
    neighbors_j = jax.random.randint(ks[2], (B, A, P), 0, A, dtype=jnp.int32)
    neighbors_k = jax.random.randint(ks[3], (B, A, P), 0, A, dtype=jnp.int32)
    pairwise_mask = jnp.ones((B, A, P), dtype=jnp.float32)
    # filter_network params: Dense(n_gauss->n_filters) + ssp + Dense(n_filters->n_filters)
    W1f = jax.random.normal(ks[4], (n_gauss, n_filters), dtype=jnp.float32) / np.sqrt(n_gauss)
    b1f = jnp.zeros((n_filters,), dtype=jnp.float32)
    W2f = jax.random.normal(ks[5], (n_filters, n_filters), dtype=jnp.float32) / np.sqrt(n_filters)
    b2f = jnp.zeros((n_filters,), dtype=jnp.float32)
    # in2f: Dense(n_in->n_filters, bias=False)
    W_in2f = jax.random.normal(ks[6], (n_in, n_filters), dtype=jnp.float32) / np.sqrt(n_in)
    # f2out: Dense(n_filters->n_out, activation=ssp)
    W_f2out = jax.random.normal(ks[7], (n_filters, n_out), dtype=jnp.float32) / np.sqrt(n_filters)
    b_f2out = jnp.zeros((n_out,), dtype=jnp.float32)
    return {
        'x': x, 'r_ij': r_ij, 'neighbors_j': neighbors_j, 'neighbors_k': neighbors_k,
        'pairwise_mask': pairwise_mask,
        'W1f': W1f, 'b1f': b1f, 'W2f': W2f, 'b2f': b2f,
        'W_in2f': W_in2f, 'W_f2out': W_f2out, 'b_f2out': b_f2out,
    }


def reference(x, r_ij, neighbors_j, neighbors_k, pairwise_mask,
              W1f, b1f, W2f, b2f, W_in2f, W_f2out, b_f2out):
    # f_ij is None -> f_ij = r_ij
    # W = filter_network(f_ij): [B, A, P, n_filters]
    W = ssp(jnp.einsum('bapg,gf->bapf', r_ij, W1f) + b1f)
    W = jnp.einsum('bapf,fh->baph', W, W2f) + b2f
    # y = in2f(x): [B, A, n_filters]
    y = jnp.einsum('bai,if->baf', x, W_in2f)
    B, A, P = neighbors_j.shape
    F = y.shape[-1]
    # gather neighbor features along atom axis (axis=1)
    nbh_j = neighbors_j.reshape(B, A * P)[:, :, None]
    nbh_k = neighbors_k.reshape(B, A * P)[:, :, None]
    y_j = jnp.take_along_axis(y, nbh_j, axis=1).reshape(B, A, P, F)
    y_k = jnp.take_along_axis(y, nbh_k, axis=1).reshape(B, A, P, F)
    # angular continuous-filter convolution
    yw = y_j * W * y_k
    # Aggregate over axis=2 with pairwise mask (sum, normalize_filter=False)
    agg = jnp.sum(yw * pairwise_mask[..., None], axis=2)
    # f2out with shifted softplus activation
    out = ssp(jnp.einsum('baf,fo->bao', agg, W_f2out) + b_f2out)
    return out

if __name__ == "__main__":
    import jax
    _d = setup_inputs()
    print(jax.jit(kernel)(*tuple(_d.values())))

</pallas_src>

<mosaic_0001>
#map = affine_map<(d0, d1) -> (0, 0)>
#map1 = affine_map<(d0, d1) -> (0, 0, 0)>
module attributes {stable_mosaic.version = 14 : i64} {
  func.func @body(%arg0: i32, %arg1: i32, %arg2: memref<8192x128xf32, #tpu.memory_space<hbm>>, %arg3: memref<2048x128xi32, #tpu.memory_space<hbm>>, %arg4: memref<2048x128xi32, #tpu.memory_space<hbm>>, %arg5: memref<2048x128x128xf32, #tpu.memory_space<hbm>>, %arg6: memref<64x128xi32, #tpu.memory_space<vmem>>, %arg7: memref<64x128xi32, #tpu.memory_space<vmem>>, %arg8: memref<128x128xf32, #tpu.memory_space<vmem>>, %arg9: memref<128x128xf32, #tpu.memory_space<vmem>>, %arg10: memref<128x128xf32, #tpu.memory_space<vmem>>, %arg11: memref<128x128xf32, #tpu.memory_space<vmem>>, %arg12: memref<!tpu.dma_semaphore, #tpu.memory_space<semaphore_mem>>, %arg13: memref<!tpu.dma_semaphore, #tpu.memory_space<semaphore_mem>>, %arg14: memref<!tpu.dma_semaphore, #tpu.memory_space<semaphore_mem>>) attributes {dimension_semantics = [#tpu.dimension_semantics<core_parallel>, #tpu.dimension_semantics<subcore_parallel>], iteration_bounds = array<i64: 2, 16>, scalar_prefetch = 0 : i64, scratch_operands = 9 : i64, tpu.core_type = #tpu.core_type<sc_vector_subcore>, window_params = [{transform_indices = #map}, {transform_indices = #map}, {transform_indices = #map}, {transform_indices = #map1}]} {
    %mul3A = arith.constant 2 : i32
    %mul3A_0 = arith.muli %arg1, %mul3A : i32
    %add3A = arith.addi %mul3A_0, %arg0 : i32
    %mul3A_1 = arith.constant 64 : i32
    %mul3A_2 = arith.muli %add3A, %mul3A_1 : i32
    %dma_start3A = arith.constant 0 : i32
    %dma_start3A_3 = tpu.memref_slice %arg3[%mul3A_2, %dma_start3A] : memref<2048x128xi32, #tpu.memory_space<hbm>> -> memref<64x128xi32, #tpu.memory_space<hbm>>
    %dma_start3A_4 = arith.constant 0 : i32
    %dma_start3A_5 = tpu.memref_slice %arg3[%mul3A_2, %dma_start3A_4] : memref<2048x128xi32, #tpu.memory_space<hbm>> -> memref<64x128xi32, #tpu.memory_space<hbm>>
    tpu.enqueue_dma source(%dma_start3A_5 : memref<64x128xi32, #tpu.memory_space<hbm>>) target(%arg6 : memref<64x128xi32, #tpu.memory_space<vmem>>) target_semaphore(%arg14 : memref<!tpu.dma_semaphore, #tpu.memory_space<semaphore_mem>>)
    %dma_start3A_6 = arith.constant 0 : i32
    %dma_start3A_7 = tpu.memref_slice %arg4[%mul3A_2, %dma_start3A_6] : memref<2048x128xi32, #tpu.memory_space<hbm>> -> memref<64x128xi32, #tpu.memory_space<hbm>>
    %dma_start3A_8 = arith.constant 0 : i32
    %dma_start3A_9 = tpu.memref_slice %arg4[%mul3A_2, %dma_start3A_8] : memref<2048x128xi32, #tpu.memory_space<hbm>> -> memref<64x128xi32, #tpu.memory_space<hbm>>
    tpu.enqueue_dma source(%dma_start3A_9 : memref<64x128xi32, #tpu.memory_space<hbm>>) target(%arg7 : memref<64x128xi32, #tpu.memory_space<vmem>>) target_semaphore(%arg14 : memref<!tpu.dma_semaphore, #tpu.memory_space<semaphore_mem>>)
    %dma_wait3A = arith.constant 0 : i32
    %dma_wait3A_10 = tpu.memref_slice %arg3[%mul3A_2, %dma_wait3A] : memref<2048x128xi32, #tpu.memory_space<hbm>> -> memref<64x128xi32, #tpu.memory_space<hbm>>
    %dma_wait3A_11 = arith.constant 0 : i32
    %dma_wait3A_12 = tpu.memref_slice %arg3[%mul3A_2, %dma_wait3A_11] : memref<2048x128xi32, #tpu.memory_space<hbm>> -> memref<64x128xi32, #tpu.memory_space<hbm>>
    tpu.wait_dma2 semaphore(%arg14 : memref<!tpu.dma_semaphore, #tpu.memory_space<semaphore_mem>>) src(%dma_wait3A_12 : memref<64x128xi32, #tpu.memory_space<hbm>>) dst(%arg6 : memref<64x128xi32, #tpu.memory_space<vmem>>)
    %dma_wait3A_13 = arith.constant 0 : i32
    %dma_wait3A_14 = tpu.memref_slice %arg4[%mul3A_2, %dma_wait3A_13] : memref<2048x128xi32, #tpu.memory_space<hbm>> -> memref<64x128xi32, #tpu.memory_space<hbm>>
    %dma_wait3A_15 = arith.constant 0 : i32
    %dma_wait3A_16 = tpu.memref_slice %arg4[%mul3A_2, %dma_wait3A_15] : memref<2048x128xi32, #tpu.memory_space<hbm>> -> memref<64x128xi32, #tpu.memory_space<hbm>>
    tpu.wait_dma2 semaphore(%arg14 : memref<!tpu.dma_semaphore, #tpu.memory_space<semaphore_mem>>) src(%dma_wait3A_16 : memref<64x128xi32, #tpu.memory_space<hbm>>) dst(%arg7 : memref<64x128xi32, #tpu.memory_space<vmem>>)
    %dma_start3A_17 = arith.constant 0 : i32
    %dma_start3A_18 = arith.constant 0 : i32
    %dma_start3A_19 = tpu.memref_slice %arg6[%dma_start3A_17, %dma_start3A_18] : memref<64x128xi32, #tpu.memory_space<vmem>> -> memref<1x128xi32, #tpu.memory_space<vmem>>
    %dma_start3A_20 = tpu.memref_squeeze %dma_start3A_19 : memref<1x128xi32, #tpu.memory_space<vmem>> -> memref<128xi32, #tpu.memory_space<vmem>>
    %dma_start3A_21 = arith.constant 0 : i32
    %dma_start3A_22 = arith.constant 0 : i32
    %dma_start3A_23 = tpu.memref_slice %arg2[%dma_start3A_21, %dma_start3A_22] : memref<8192x128xf32, #tpu.memory_space<hbm>> -> memref<8192x128xf32, #tpu.memory_space<hbm>>
    tpu.enqueue_indirect_dma source(%dma_start3A_23 : memref<8192x128xf32, #tpu.memory_space<hbm>>) target(%arg8 : memref<128x128xf32, #tpu.memory_space<vmem>>) offsets(%dma_start3A_20 : memref<128xi32, #tpu.memory_space<vmem>>) semaphore(%arg12 : memref<!tpu.dma_semaphore, #tpu.memory_space<semaphore_mem>>)
    %dma_start3A_24 = arith.constant 0 : i32
    %dma_start3A_25 = arith.constant 0 : i32
    %dma_start3A_26 = tpu.memref_slice %arg7[%dma_start3A_24, %dma_start3A_25] : memref<64x128xi32, #tpu.memory_space<vmem>> -> memref<1x128xi32, #tpu.memory_space<vmem>>
    %dma_start3A_27 = tpu.memref_squeeze %dma_start3A_26 : memref<1x128xi32, #tpu.memory_space<vmem>> -> memref<128xi32, #tpu.memory_space<vmem>>
    %dma_start3A_28 = arith.constant 0 : i32
    %dma_start3A_29 = arith.constant 0 : i32
    %dma_start3A_30 = tpu.memref_slice %arg2[%dma_start3A_28, %dma_start3A_29] : memref<8192x128xf32, #tpu.memory_space<hbm>> -> memref<8192x128xf32, #tpu.memory_space<hbm>>
    tpu.enqueue_indirect_dma source(%dma_start3A_30 : memref<8192x128xf32, #tpu.memory_space<hbm>>) target(%arg10 : memref<128x128xf32, #tpu.memory_space<vmem>>) offsets(%dma_start3A_27 : memref<128xi32, #tpu.memory_space<vmem>>) semaphore(%arg12 : memref<!tpu.dma_semaphore, #tpu.memory_space<semaphore_mem>>)
    %scan3A = arith.constant 0 : i32
    %scan3A_31 = arith.constant 0 : i32
    %scan3A_32 = arith.constant 32 : i32
    %scan3A_33 = arith.addi %scan3A_31, %scan3A_32 : i32
    %scan3A_34 = arith.constant 1 : i32
    scf.for %scan3A_50 = %scan3A_31 to %scan3A_33 step %scan3A_34  : i32 {
      %mul3A_51 = arith.constant 2 : i32
      %mul3A_52 = arith.muli %mul3A_51, %scan3A_50 : i32
      %add3A_53 = arith.constant 1 : i32
      %add3A_54 = arith.addi %mul3A_52, %add3A_53 : i32
      %dma_start3A_55 = arith.constant 0 : i32
      %dma_start3A_56 = tpu.memref_slice %arg6[%add3A_54, %dma_start3A_55] : memref<64x128xi32, #tpu.memory_space<vmem>> -> memref<1x128xi32, #tpu.memory_space<vmem>>
      %dma_start3A_57 = tpu.memref_squeeze %dma_start3A_56 : memref<1x128xi32, #tpu.memory_space<vmem>> -> memref<128xi32, #tpu.memory_space<vmem>>
      %dma_start3A_58 = arith.constant 0 : i32
      %dma_start3A_59 = arith.constant 0 : i32
      %dma_start3A_60 = tpu.memref_slice %arg2[%dma_start3A_58, %dma_start3A_59] : memref<8192x128xf32, #tpu.memory_space<hbm>> -> memref<8192x128xf32, #tpu.memory_space<hbm>>
      tpu.enqueue_indirect_dma source(%dma_start3A_60 : memref<8192x128xf32, #tpu.memory_space<hbm>>) target(%arg9 : memref<128x128xf32, #tpu.memory_space<vmem>>) offsets(%dma_start3A_57 : memref<128xi32, #tpu.memory_space<vmem>>) semaphore(%arg13 : memref<!tpu.dma_semaphore, #tpu.memory_space<semaphore_mem>>)
      %dma_start3A_61 = arith.constant 0 : i32
      %dma_start3A_62 = tpu.memref_slice %arg7[%add3A_54, %dma_start3A_61] : memref<64x128xi32, #tpu.memory_space<vmem>> -> memref<1x128xi32, #tpu.memory_space<vmem>>
      %dma_start3A_63 = tpu.memref_squeeze %dma_start3A_62 : memref<1x128xi32, #tpu.memory_space<vmem>> -> memref<128xi32, #tpu.memory_space<vmem>>
      %dma_start3A_64 = arith.constant 0 : i32
      %dma_start3A_65 = arith.constant 0 : i32
      %dma_start3A_66 = tpu.memref_slice %arg2[%dma_start3A_64, %dma_start3A_65] : memref<8192x128xf32, #tpu.memory_space<hbm>> -> memref<8192x128xf32, #tpu.memory_space<hbm>>
      tpu.enqueue_indirect_dma source(%dma_start3A_66 : memref<8192x128xf32, #tpu.memory_space<hbm>>) target(%arg11 : memref<128x128xf32, #tpu.memory_space<vmem>>) offsets(%dma_start3A_63 : memref<128xi32, #tpu.memory_space<vmem>>) semaphore(%arg13 : memref<!tpu.dma_semaphore, #tpu.memory_space<semaphore_mem>>)
      %dma_wait3A_67 = arith.constant 0 : i32
      %dma_wait3A_68 = tpu.memref_slice %arg6[%mul3A_52, %dma_wait3A_67] : memref<64x128xi32, #tpu.memory_space<vmem>> -> memref<1x128xi32, #tpu.memory_space<vmem>>
      %dma_wait3A_69 = tpu.memref_squeeze %dma_wait3A_68 : memref<1x128xi32, #tpu.memory_space<vmem>> -> memref<128xi32, #tpu.memory_space<vmem>>
      %dma_wait3A_70 = arith.constant 0 : i32
      %dma_wait3A_71 = arith.constant 0 : i32
      %dma_wait3A_72 = tpu.memref_slice %arg2[%dma_wait3A_70, %dma_wait3A_71] : memref<8192x128xf32, #tpu.memory_space<hbm>> -> memref<8192x128xf32, #tpu.memory_space<hbm>>
      tpu.wait_indirect_dma semaphore(%arg12 : memref<!tpu.dma_semaphore, #tpu.memory_space<semaphore_mem>>) src(%dma_wait3A_72 : memref<8192x128xf32, #tpu.memory_space<hbm>>) dst(%arg8 : memref<128x128xf32, #tpu.memory_space<vmem>>)
      %dma_wait3A_73 = arith.constant 0 : i32
      %dma_wait3A_74 = tpu.memref_slice %arg7[%mul3A_52, %dma_wait3A_73] : memref<64x128xi32, #tpu.memory_space<vmem>> -> memref<1x128xi32, #tpu.memory_space<vmem>>
      %dma_wait3A_75 = tpu.memref_squeeze %dma_wait3A_74 : memref<1x128xi32, #tpu.memory_space<vmem>> -> memref<128xi32, #tpu.memory_space<vmem>>
      %dma_wait3A_76 = arith.constant 0 : i32
      %dma_wait3A_77 = arith.constant 0 : i32
      %dma_wait3A_78 = tpu.memref_slice %arg2[%dma_wait3A_76, %dma_wait3A_77] : memref<8192x128xf32, #tpu.memory_space<hbm>> -> memref<8192x128xf32, #tpu.memory_space<hbm>>
      tpu.wait_indirect_dma semaphore(%arg12 : memref<!tpu.dma_semaphore, #tpu.memory_space<semaphore_mem>>) src(%dma_wait3A_78 : memref<8192x128xf32, #tpu.memory_space<hbm>>) dst(%arg10 : memref<128x128xf32, #tpu.memory_space<vmem>>)
      %scan3A_79 = arith.constant 0 : i32
      %scan3A_80 = arith.constant 0 : i32
      %scan3A_81 = arith.constant 128 : i32
      %scan3A_82 = arith.addi %scan3A_80, %scan3A_81 : i32
      %scan3A_83 = arith.constant 2 : i32
      scf.for %scan3A_122 = %scan3A_80 to %scan3A_82 step %scan3A_83  : i32 {
        %get3A = arith.index_cast %scan3A_122 : i32 to index
        %get3A_123 = arith.constant 0 : index
        %get3A_124 = tpu.vector_load %arg8[%get3A, %get3A_123] {strides = array<i32>} : memref<128x128xf32, #tpu.memory_space<vmem>>, vector<1x16xf32>,
        %get3A_125 = vector.shape_cast %get3A_124 : vector<1x16xf32> to vector<16xf32>
        %get3A_126 = arith.index_cast %scan3A_122 : i32 to index
        %get3A_127 = arith.constant 0 : index
        %get3A_128 = tpu.vector_load %arg10[%get3A_126, %get3A_127] {strides = array<i32>} : memref<128x128xf32, #tpu.memory_space<vmem>>, vector<1x16xf32>,
        %get3A_129 = vector.shape_cast %get3A_128 : vector<1x16xf32> to vector<16xf32>
        %mul3A_130 = arith.mulf %get3A_125, %get3A_129 : vector<16xf32>
        %swap3A = arith.index_cast %scan3A_122 : i32 to index
        %swap3A_131 = arith.constant 0 : index
        %swap3A_132 = tpu.vector_load %arg8[%swap3A, %swap3A_131] {strides = array<i32>} : memref<128x128xf32, #tpu.memory_space<vmem>>, vector<1x16xf32>,
        %swap3A_133 = vector.shape_cast %swap3A_132 : vector<1x16xf32> to vector<16xf32>
        %swap3A_134 = vector.shape_cast %mul3A_130 : vector<16xf32> to vector<1x16xf32>
        tpu.vector_store %arg8[%swap3A, %swap3A_131], %swap3A_134 {strides = array<i32>} : memref<128x128xf32, #tpu.memory_space<vmem>>, vector<1x16xf32>,
        %get3A_135 = arith.index_cast %scan3A_122 : i32 to index
        %get3A_136 = arith.constant 16 : index
        %get3A_137 = tpu.vector_load %arg8[%get3A_135, %get3A_136] {strides = array<i32>} : memref<128x128xf32, #tpu.memory_space<vmem>>, vector<1x16xf32>,
        %get3A_138 = vector.shape_cast %get3A_137 : vector<1x16xf32> to vector<16xf32>
        %get3A_139 = arith.index_cast %scan3A_122 : i32 to index
        %get3A_140 = arith.constant 16 : index
        %get3A_141 = tpu.vector_load %arg10[%get3A_139, %get3A_140] {strides = array<i32>} : memref<128x128xf32, #tpu.memory_space<vmem>>, vector<1x16xf32>,
        %get3A_142 = vector.shape_cast %get3A_141 : vector<1x16xf32> to vector<16xf32>
        %mul3A_143 = arith.mulf %get3A_138, %get3A_142 : vector<16xf32>
        %swap3A_144 = arith.index_cast %scan3A_122 : i32 to index
        %swap3A_145 = arith.constant 16 : index
        %swap3A_146 = tpu.vector_load %arg8[%swap3A_144, %swap3A_145] {strides = array<i32>} : memref<128x128xf32, #tpu.memory_space<vmem>>, vector<1x16xf32>,
        %swap3A_147 = vector.shape_cast %swap3A_146 : vector<1x16xf32> to vector<16xf32>
        %swap3A_148 = vector.shape_cast %mul3A_143 : vector<16xf32> to vector<1x16xf32>
        tpu.vector_store %arg8[%swap3A_144, %swap3A_145], %swap3A_148 {strides = array<i32>} : memref<128x128xf32, #tpu.memory_space<vmem>>, vector<1x16xf32>,
        %get3A_149 = arith.index_cast %scan3A_122 : i32 to index
        %get3A_150 = arith.constant 32 : index
        %get3A_151 = tpu.vector_load %arg8[%get3A_149, %get3A_150] {strides = array<i32>} : memref<128x128xf32, #tpu.memory_space<vmem>>, vector<1x16xf32>,
        %get3A_152 = vector.shape_cast %get3A_151 : vector<1x16xf32> to vector<16xf32>
        %get3A_153 = arith.index_cast %scan3A_122 : i32 to index
        %get3A_154 = arith.constant 32 : index
        %get3A_155 = tpu.vector_load %arg10[%get3A_153, %get3A_154] {strides = array<i32>} : memref<128x128xf32, #tpu.memory_space<vmem>>, vector<1x16xf32>,
        %get3A_156 = vector.shape_cast %get3A_155 : vector<1x16xf32> to vector<16xf32>
        %mul3A_157 = arith.mulf %get3A_152, %get3A_156 : vector<16xf32>
        %swap3A_158 = arith.index_cast %scan3A_122 : i32 to index
        %swap3A_159 = arith.constant 32 : index
        %swap3A_160 = tpu.vector_load %arg8[%swap3A_158, %swap3A_159] {strides = array<i32>} : memref<128x128xf32, #tpu.memory_space<vmem>>, vector<1x16xf32>,
        %swap3A_161 = vector.shape_cast %swap3A_160 : vector<1x16xf32> to vector<16xf32>
        %swap3A_162 = vector.shape_cast %mul3A_157 : vector<16xf32> to vector<1x16xf32>
        tpu.vector_store %arg8[%swap3A_158, %swap3A_159], %swap3A_162 {strides = array<i32>} : memref<128x128xf32, #tpu.memory_space<vmem>>, vector<1x16xf32>,
        %get3A_163 = arith.index_cast %scan3A_122 : i32 to index
        %get3A_164 = arith.constant 48 : index
        %get3A_165 = tpu.vector_load %arg8[%get3A_163, %get3A_164] {strides = array<i32>} : memref<128x128xf32, #tpu.memory_space<vmem>>, vector<1x16xf32>,
        %get3A_166 = vector.shape_cast %get3A_165 : vector<1x16xf32> to vector<16xf32>
        %get3A_167 = arith.index_cast %scan3A_122 : i32 to index
        %get3A_168 = arith.constant 48 : index
        %get3A_169 = tpu.vector_load %arg10[%get3A_167, %get3A_168] {strides = array<i32>} : memref<128x128xf32, #tpu.memory_space<vmem>>, vector<1x16xf32>,
        %get3A_170 = vector.shape_cast %get3A_169 : vector<1x16xf32> to vector<16xf32>
        %mul3A_171 = arith.mulf %get3A_166, %get3A_170 : vector<16xf32>
        %swap3A_172 = arith.index_cast %scan3A_122 : i32 to index
        %swap3A_173 = arith.constant 48 : index
        %swap3A_174 = tpu.vector_load %arg8[%swap3A_172, %swap3A_173] {strides = array<i32>} : memref<128x128xf32, #tpu.memory_space<vmem>>, vector<1x16xf32>,
        %swap3A_175 = vector.shape_cast %swap3A_174 : vector<1x16xf32> to vector<16xf32>
        %swap3A_176 = vector.shape_cast %mul3A_171 : vector<16xf32> to vector<1x16xf32>
        tpu.vector_store %arg8[%swap3A_172, %swap3A_173], %swap3A_176 {strides = array<i32>} : memref<128x128xf32, #tpu.memory_space<vmem>>, vector<1x16xf32>,
        %get3A_177 = arith.index_cast %scan3A_122 : i32 to index
        %get3A_178 = arith.constant 64 : index
        %get3A_179 = tpu.vector_load %arg8[%get3A_177, %get3A_178] {strides = array<i32>} : memref<128x128xf32, #tpu.memory_space<vmem>>, vector<1x16xf32>,
        %get3A_180 = vector.shape_cast %get3A_179 : vector<1x16xf32> to vector<16xf32>
        %get3A_181 = arith.index_cast %scan3A_122 : i32 to index
        %get3A_182 = arith.constant 64 : index
        %get3A_183 = tpu.vector_load %arg10[%get3A_181, %get3A_182] {strides = array<i32>} : memref<128x128xf32, #tpu.memory_space<vmem>>, vector<1x16xf32>,
        %get3A_184 = vector.shape_cast %get3A_183 : vector<1x16xf32> to vector<16xf32>
        %mul3A_185 = arith.mulf %get3A_180, %get3A_184 : vector<16xf32>
        %swap3A_186 = arith.index_cast %scan3A_122 : i32 to index
        %swap3A_187 = arith.constant 64 : index
        %swap3A_188 = tpu.vector_load %arg8[%swap3A_186, %swap3A_187] {strides = array<i32>} : memref<128x128xf32, #tpu.memory_space<vmem>>, vector<1x16xf32>,
        %swap3A_189 = vector.shape_cast %swap3A_188 : vector<1x16xf32> to vector<16xf32>
        %swap3A_190 = vector.shape_cast %mul3A_185 : vector<16xf32> to vector<1x16xf32>
        tpu.vector_store %arg8[%swap3A_186, %swap3A_187], %swap3A_190 {strides = array<i32>} : memref<128x128xf32, #tpu.memory_space<vmem>>, vector<1x16xf32>,
        %get3A_191 = arith.index_cast %scan3A_122 : i32 to index
        %get3A_192 = arith.constant 80 : index
        %get3A_193 = tpu.vector_load %arg8[%get3A_191, %get3A_192] {strides = array<i32>} : memref<128x128xf32, #tpu.memory_space<vmem>>, vector<1x16xf32>,
        %get3A_194 = vector.shape_cast %get3A_193 : vector<1x16xf32> to vector<16xf32>
        %get3A_195 = arith.index_cast %scan3A_122 : i32 to index
        %get3A_196 = arith.constant 80 : index
        %get3A_197 = tpu.vector_load %arg10[%get3A_195, %get3A_196] {strides = array<i32>} : memref<128x128xf32, #tpu.memory_space<vmem>>, vector<1x16xf32>,
        %get3A_198 = vector.shape_cast %get3A_197 : vector<1x16xf32> to vector<16xf32>
        %mul3A_199 = arith.mulf %get3A_194, %get3A_198 : vector<16xf32>
        %swap3A_200 = arith.index_cast %scan3A_122 : i32 to index
        %swap3A_201 = arith.constant 80 : index
        %swap3A_202 = tpu.vector_load %arg8[%swap3A_200, %swap3A_201] {strides = array<i32>} : memref<128x128xf32, #tpu.memory_space<vmem>>, vector<1x16xf32>,
        %swap3A_203 = vector.shape_cast %swap3A_202 : vector<1x16xf32> to vector<16xf32>
        %swap3A_204 = vector.shape_cast %mul3A_199 : vector<16xf32> to vector<1x16xf32>
        tpu.vector_store %arg8[%swap3A_200, %swap3A_201], %swap3A_204 {strides = array<i32>} : memref<128x128xf32, #tpu.memory_space<vmem>>, vector<1x16xf32>,
        %get3A_205 = arith.index_cast %scan3A_122 : i32 to index
        %get3A_206 = arith.constant 96 : index
        %get3A_207 = tpu.vector_load %arg8[%get3A_205, %get3A_206] {strides = array<i32>} : memref<128x128xf32, #tpu.memory_space<vmem>>, vector<1x16xf32>,
        %get3A_208 = vector.shape_cast %get3A_207 : vector<1x16xf32> to vector<16xf32>
        %get3A_209 = arith.index_cast %scan3A_122 : i32 to index
        %get3A_210 = arith.constant 96 : index
        %get3A_211 = tpu.vector_load %arg10[%get3A_209, %get3A_210] {strides = array<i32>} : memref<128x128xf32, #tpu.memory_space<vmem>>, vector<1x16xf32>,
        %get3A_212 = vector.shape_cast %get3A_211 : vector<1x16xf32> to vector<16xf32>
        %mul3A_213 = arith.mulf %get3A_208, %get3A_212 : vector<16xf32>
        %swap3A_214 = arith.index_cast %scan3A_122 : i32 to index
        %swap3A_215 = arith.constant 96 : index
        %swap3A_216 = tpu.vector_load %arg8[%swap3A_214, %swap3A_215] {strides = array<i32>} : memref<128x128xf32, #tpu.memory_space<vmem>>, vector<1x16xf32>,
        %swap3A_217 = vector.shape_cast %swap3A_216 : vector<1x16xf32> to vector<16xf32>
        %swap3A_218 = vector.shape_cast %mul3A_213 : vector<16xf32> to vector<1x16xf32>
        tpu.vector_store %arg8[%swap3A_214, %swap3A_215], %swap3A_218 {strides = array<i32>} : memref<128x128xf32, #tpu.memory_space<vmem>>, vector<1x16xf32>,
        %get3A_219 = arith.index_cast %scan3A_122 : i32 to index
        %get3A_220 = arith.constant 112 : index
        %get3A_221 = tpu.vector_load %arg8[%get3A_219, %get3A_220] {strides = array<i32>} : memref<128x128xf32, #tpu.memory_space<vmem>>, vector<1x16xf32>,
        %get3A_222 = vector.shape_cast %get3A_221 : vector<1x16xf32> to vector<16xf32>
        %get3A_223 = arith.index_cast %scan3A_122 : i32 to index
        %get3A_224 = arith.constant 112 : index
        %get3A_225 = tpu.vector_load %arg10[%get3A_223, %get3A_224] {strides = array<i32>} : memref<128x128xf32, #tpu.memory_space<vmem>>, vector<1x16xf32>,
        %get3A_226 = vector.shape_cast %get3A_225 : vector<1x16xf32> to vector<16xf32>
        %mul3A_227 = arith.mulf %get3A_222, %get3A_226 : vector<16xf32>
        %swap3A_228 = arith.index_cast %scan3A_122 : i32 to index
        %swap3A_229 = arith.constant 112 : index
        %swap3A_230 = tpu.vector_load %arg8[%swap3A_228, %swap3A_229] {strides = array<i32>} : memref<128x128xf32, #tpu.memory_space<vmem>>, vector<1x16xf32>,
        %swap3A_231 = vector.shape_cast %swap3A_230 : vector<1x16xf32> to vector<16xf32>
        %swap3A_232 = vector.shape_cast %mul3A_227 : vector<16xf32> to vector<1x16xf32>
        tpu.vector_store %arg8[%swap3A_228, %swap3A_229], %swap3A_232 {strides = array<i32>} : memref<128x128xf32, #tpu.memory_space<vmem>>, vector<1x16xf32>,
        %scan3A_233 = arith.constant 1 : i32
        %scan3A_234 = arith.addi %scan3A_122, %scan3A_233 : i32
        %get3A_235 = arith.index_cast %scan3A_234 : i32 to index
        %get3A_236 = arith.constant 0 : index
        %get3A_237 = tpu.vector_load %arg8[%get3A_235, %get3A_236] {strides = array<i32>} : memref<128x128xf32, #tpu.memory_space<vmem>>, vector<1x16xf32>,
        %get3A_238 = vector.shape_cast %get3A_237 : vector<1x16xf32> to vector<16xf32>
        %get3A_239 = arith.index_cast %scan3A_234 : i32 to index
        %get3A_240 = arith.constant 0 : index
        %get3A_241 = tpu.vector_load %arg10[%get3A_239, %get3A_240] {strides = array<i32>} : memref<128x128xf32, #tpu.memory_space<vmem>>, vector<1x16xf32>,
        %get3A_242 = vector.shape_cast %get3A_241 : vector<1x16xf32> to vector<16xf32>
        %mul3A_243 = arith.mulf %get3A_238, %get3A_242 : vector<16xf32>
        %swap3A_244 = arith.index_cast %scan3A_234 : i32 to index
        %swap3A_245 = arith.constant 0 : index
        %swap3A_246 = tpu.vector_load %arg8[%swap3A_244, %swap3A_245] {strides = array<i32>} : memref<128x128xf32, #tpu.memory_space<vmem>>, vector<1x16xf32>,
        %swap3A_247 = vector.shape_cast %swap3A_246 : vector<1x16xf32> to vector<16xf32>
        %swap3A_248 = vector.shape_cast %mul3A_243 : vector<16xf32> to vector<1x16xf32>
        tpu.vector_store %arg8[%swap3A_244, %swap3A_245], %swap3A_248 {strides = array<i32>} : memref<128x128xf32, #tpu.memory_space<vmem>>, vector<1x16xf32>,
        %get3A_249 = arith.index_cast %scan3A_234 : i32 to index
        %get3A_250 = arith.constant 16 : index
        %get3A_251 = tpu.vector_load %arg8[%get3A_249, %get3A_250] {strides = array<i32>} : memref<128x128xf32, #tpu.memory_space<vmem>>, vector<1x16xf32>,
        %get3A_252 = vector.shape_cast %get3A_251 : vector<1x16xf32> to vector<16xf32>
        %get3A_253 = arith.index_cast %scan3A_234 : i32 to index
        %get3A_254 = arith.constant 16 : index
        %get3A_255 = tpu.vector_load %arg10[%get3A_253, %get3A_254] {strides = array<i32>} : memref<128x128xf32, #tpu.memory_space<vmem>>, vector<1x16xf32>,
        %get3A_256 = vector.shape_cast %get3A_255 : vector<1x16xf32> to vector<16xf32>
        %mul3A_257 = arith.mulf %get3A_252, %get3A_256 : vector<16xf32>
        %swap3A_258 = arith.index_cast %scan3A_234 : i32 to index
        %swap3A_259 = arith.constant 16 : index
        %swap3A_260 = tpu.vector_load %arg8[%swap3A_258, %swap3A_259] {strides = array<i32>} : memref<128x128xf32, #tpu.memory_space<vmem>>, vector<1x16xf32>,
        %swap3A_261 = vector.shape_cast %swap3A_260 : vector<1x16xf32> to vector<16xf32>
        %swap3A_262 = vector.shape_cast %mul3A_257 : vector<16xf32> to vector<1x16xf32>
        tpu.vector_store %arg8[%swap3A_258, %swap3A_259], %swap3A_262 {strides = array<i32>} : memref<128x128xf32, #tpu.memory_space<vmem>>, vector<1x16xf32>,
        %get3A_263 = arith.index_cast %scan3A_234 : i32 to index
        %get3A_264 = arith.constant 32 : index
        %get3A_265 = tpu.vector_load %arg8[%get3A_263, %get3A_264] {strides = array<i32>} : memref<128x128xf32, #tpu.memory_space<vmem>>, vector<1x16xf32>,
        %get3A_266 = vector.shape_cast %get3A_265 : vector<1x16xf32> to vector<16xf32>
        %get3A_267 = arith.index_cast %scan3A_234 : i32 to index
        %get3A_268 = arith.constant 32 : index
        %get3A_269 = tpu.vector_load %arg10[%get3A_267, %get3A_268] {strides = array<i32>} : memref<128x128xf32, #tpu.memory_space<vmem>>, vector<1x16xf32>,
        %get3A_270 = vector.shape_cast %get3A_269 : vector<1x16xf32> to vector<16xf32>
        %mul3A_271 = arith.mulf %get3A_266, %get3A_270 : vector<16xf32>
        %swap3A_272 = arith.index_cast %scan3A_234 : i32 to index
        %swap3A_273 = arith.constant 32 : index
        %swap3A_274 = tpu.vector_load %arg8[%swap3A_272, %swap3A_273] {strides = array<i32>} : memref<128x128xf32, #tpu.memory_space<vmem>>, vector<1x16xf32>,
        %swap3A_275 = vector.shape_cast %swap3A_274 : vector<1x16xf32> to vector<16xf32>
        %swap3A_276 = vector.shape_cast %mul3A_271 : vector<16xf32> to vector<1x16xf32>
        tpu.vector_store %arg8[%swap3A_272, %swap3A_273], %swap3A_276 {strides = array<i32>} : memref<128x128xf32, #tpu.memory_space<vmem>>, vector<1x16xf32>,
        %get3A_277 = arith.index_cast %scan3A_234 : i32 to index
        %get3A_278 = arith.constant 48 : index
        %get3A_279 = tpu.vector_load %arg8[%get3A_277, %get3A_278] {strides = array<i32>} : memref<128x128xf32, #tpu.memory_space<vmem>>, vector<1x16xf32>,
        %get3A_280 = vector.shape_cast %get3A_279 : vector<1x16xf32> to vector<16xf32>
        %get3A_281 = arith.index_cast %scan3A_234 : i32 to index
        %get3A_282 = arith.constant 48 : index
        %get3A_283 = tpu.vector_load %arg10[%get3A_281, %get3A_282] {strides = array<i32>} : memref<128x128xf32, #tpu.memory_space<vmem>>, vector<1x16xf32>,
        %get3A_284 = vector.shape_cast %get3A_283 : vector<1x16xf32> to vector<16xf32>
        %mul3A_285 = arith.mulf %get3A_280, %get3A_284 : vector<16xf32>
        %swap3A_286 = arith.index_cast %scan3A_234 : i32 to index
        %swap3A_287 = arith.constant 48 : index
        %swap3A_288 = tpu.vector_load %arg8[%swap3A_286, %swap3A_287] {strides = array<i32>} : memref<128x128xf32, #tpu.memory_space<vmem>>, vector<1x16xf32>,
        %swap3A_289 = vector.shape_cast %swap3A_288 : vector<1x16xf32> to vector<16xf32>
        %swap3A_290 = vector.shape_cast %mul3A_285 : vector<16xf32> to vector<1x16xf32>
        tpu.vector_store %arg8[%swap3A_286, %swap3A_287], %swap3A_290 {strides = array<i32>} : memref<128x128xf32, #tpu.memory_space<vmem>>, vector<1x16xf32>,
        %get3A_291 = arith.index_cast %scan3A_234 : i32 to index
        %get3A_292 = arith.constant 64 : index
        %get3A_293 = tpu.vector_load %arg8[%get3A_291, %get3A_292] {strides = array<i32>} : memref<128x128xf32, #tpu.memory_space<vmem>>, vector<1x16xf32>,
        %get3A_294 = vector.shape_cast %get3A_293 : vector<1x16xf32> to vector<16xf32>
        %get3A_295 = arith.index_cast %scan3A_234 : i32 to index
        %get3A_296 = arith.constant 64 : index
        %get3A_297 = tpu.vector_load %arg10[%get3A_295, %get3A_296] {strides = array<i32>} : memref<128x128xf32, #tpu.memory_space<vmem>>, vector<1x16xf32>,
        %get3A_298 = vector.shape_cast %get3A_297 : vector<1x16xf32> to vector<16xf32>
        %mul3A_299 = arith.mulf %get3A_294, %get3A_298 : vector<16xf32>
        %swap3A_300 = arith.index_cast %scan3A_234 : i32 to index
        %swap3A_301 = arith.constant 64 : index
        %swap3A_302 = tpu.vector_load %arg8[%swap3A_300, %swap3A_301] {strides = array<i32>} : memref<128x128xf32, #tpu.memory_space<vmem>>, vector<1x16xf32>,
        %swap3A_303 = vector.shape_cast %swap3A_302 : vector<1x16xf32> to vector<16xf32>
        %swap3A_304 = vector.shape_cast %mul3A_299 : vector<16xf32> to vector<1x16xf32>
        tpu.vector_store %arg8[%swap3A_300, %swap3A_301], %swap3A_304 {strides = array<i32>} : memref<128x128xf32, #tpu.memory_space<vmem>>, vector<1x16xf32>,
        %get3A_305 = arith.index_cast %scan3A_234 : i32 to index
        %get3A_306 = arith.constant 80 : index
        %get3A_307 = tpu.vector_load %arg8[%get3A_305, %get3A_306] {strides = array<i32>} : memref<128x128xf32, #tpu.memory_space<vmem>>, vector<1x16xf32>,
        %get3A_308 = vector.shape_cast %get3A_307 : vector<1x16xf32> to vector<16xf32>
        %get3A_309 = arith.index_cast %scan3A_234 : i32 to index
        %get3A_310 = arith.constant 80 : index
        %get3A_311 = tpu.vector_load %arg10[%get3A_309, %get3A_310] {strides = array<i32>} : memref<128x128xf32, #tpu.memory_space<vmem>>, vector<1x16xf32>,
        %get3A_312 = vector.shape_cast %get3A_311 : vector<1x16xf32> to vector<16xf32>
        %mul3A_313 = arith.mulf %get3A_308, %get3A_312 : vector<16xf32>
        %swap3A_314 = arith.index_cast %scan3A_234 : i32 to index
        %swap3A_315 = arith.constant 80 : index
        %swap3A_316 = tpu.vector_load %arg8[%swap3A_314, %swap3A_315] {strides = array<i32>} : memref<128x128xf32, #tpu.memory_space<vmem>>, vector<1x16xf32>,
        %swap3A_317 = vector.shape_cast %swap3A_316 : vector<1x16xf32> to vector<16xf32>
        %swap3A_318 = vector.shape_cast %mul3A_313 : vector<16xf32> to vector<1x16xf32>
        tpu.vector_store %arg8[%swap3A_314, %swap3A_315], %swap3A_318 {strides = array<i32>} : memref<128x128xf32, #tpu.memory_space<vmem>>, vector<1x16xf32>,
        %get3A_319 = arith.index_cast %scan3A_234 : i32 to index
        %get3A_320 = arith.constant 96 : index
        %get3A_321 = tpu.vector_load %arg8[%get3A_319, %get3A_320] {strides = array<i32>} : memref<128x128xf32, #tpu.memory_space<vmem>>, vector<1x16xf32>,
        %get3A_322 = vector.shape_cast %get3A_321 : vector<1x16xf32> to vector<16xf32>
        %get3A_323 = arith.index_cast %scan3A_234 : i32 to index
        %get3A_324 = arith.constant 96 : index
        %get3A_325 = tpu.vector_load %arg10[%get3A_323, %get3A_324] {strides = array<i32>} : memref<128x128xf32, #tpu.memory_space<vmem>>, vector<1x16xf32>,
        %get3A_326 = vector.shape_cast %get3A_325 : vector<1x16xf32> to vector<16xf32>
        %mul3A_327 = arith.mulf %get3A_322, %get3A_326 : vector<16xf32>
        %swap3A_328 = arith.index_cast %scan3A_234 : i32 to index
        %swap3A_329 = arith.constant 96 : index
        %swap3A_330 = tpu.vector_load %arg8[%swap3A_328, %swap3A_329] {strides = array<i32>} : memref<128x128xf32, #tpu.memory_space<vmem>>, vector<1x16xf32>,
        %swap3A_331 = vector.shape_cast %swap3A_330 : vector<1x16xf32> to vector<16xf32>
        %swap3A_332 = vector.shape_cast %mul3A_327 : vector<16xf32> to vector<1x16xf32>
        tpu.vector_store %arg8[%swap3A_328, %swap3A_329], %swap3A_332 {strides = array<i32>} : memref<128x128xf32, #tpu.memory_space<vmem>>, vector<1x16xf32>,
        %get3A_333 = arith.index_cast %scan3A_234 : i32 to index
        %get3A_334 = arith.constant 112 : index
        %get3A_335 = tpu.vector_load %arg8[%get3A_333, %get3A_334] {strides = array<i32>} : memref<128x128xf32, #tpu.memory_space<vmem>>, vector<1x16xf32>,
        %get3A_336 = vector.shape_cast %get3A_335 : vector<1x16xf32> to vector<16xf32>
        %get3A_337 = arith.index_cast %scan3A_234 : i32 to index
        %get3A_338 = arith.constant 112 : index
        %get3A_339 = tpu.vector_load %arg10[%get3A_337, %get3A_338] {strides = array<i32>} : memref<128x128xf32, #tpu.memory_space<vmem>>, vector<1x16xf32>,
        %get3A_340 = vector.shape_cast %get3A_339 : vector<1x16xf32> to vector<16xf32>
        %mul3A_341 = arith.mulf %get3A_336, %get3A_340 : vector<16xf32>
        %swap3A_342 = arith.index_cast %scan3A_234 : i32 to index
        %swap3A_343 = arith.constant 112 : index
        %swap3A_344 = tpu.vector_load %arg8[%swap3A_342, %swap3A_343] {strides = array<i32>} : memref<128x128xf32, #tpu.memory_space<vmem>>, vector<1x16xf32>,
        %swap3A_345 = vector.shape_cast %swap3A_344 : vector<1x16xf32> to vector<16xf32>
        %swap3A_346 = vector.shape_cast %mul3A_341 : vector<16xf32> to vector<1x16xf32>
        tpu.vector_store %arg8[%swap3A_342, %swap3A_343], %swap3A_346 {strides = array<i32>} : memref<128x128xf32, #tpu.memory_space<vmem>>, vector<1x16xf32>,
      }
      %scan3A_84 = arith.constant 128 : i32
      %add3A_85 = arith.addi %mul3A_2, %mul3A_52 : i32
      "tpu.region"() ({
        %run_scoped3A = tpu.sem_alloc : memref<!tpu.dma_semaphore, #tpu.memory_space<semaphore_mem>>
        %dma_start3A_122 = arith.constant 0 : i32
        %dma_start3A_123 = arith.constant 0 : i32
        %dma_start3A_124 = tpu.memref_slice %arg5[%add3A_85, %dma_start3A_122, %dma_start3A_123] : memref<2048x128x128xf32, #tpu.memory_space<hbm>> -> memref<1x128x128xf32, #tpu.memory_space<hbm>>
        %dma_start3A_125 = tpu.memref_squeeze %dma_start3A_124 : memref<1x128x128xf32, #tpu.memory_space<hbm>> -> memref<128x128xf32, #tpu.memory_space<hbm>>
        %dma_start3A_126 = arith.constant 0 : i32
        %dma_start3A_127 = arith.constant 0 : i32
        %dma_start3A_128 = tpu.memref_slice %arg5[%add3A_85, %dma_start3A_126, %dma_start3A_127] : memref<2048x128x128xf32, #tpu.memory_space<hbm>> -> memref<1x128x128xf32, #tpu.memory_space<hbm>>
        %dma_start3A_129 = tpu.memref_squeeze %dma_start3A_128 : memref<1x128x128xf32, #tpu.memory_space<hbm>> -> memref<128x128xf32, #tpu.memory_space<hbm>>
        tpu.enqueue_dma source(%arg8 : memref<128x128xf32, #tpu.memory_space<vmem>>) target(%dma_start3A_129 : memref<128x128xf32, #tpu.memory_space<hbm>>) target_semaphore(%run_scoped3A : memref<!tpu.dma_semaphore, #tpu.memory_space<semaphore_mem>>)
        %dma_wait3A_130 = arith.constant 0 : i32
        %dma_wait3A_131 = arith.constant 0 : i32
        %dma_wait3A_132 = tpu.memref_slice %arg5[%add3A_85, %dma_wait3A_130, %dma_wait3A_131] : memref<2048x128x128xf32, #tpu.memory_space<hbm>> -> memref<1x128x128xf32, #tpu.memory_space<hbm>>
        %dma_wait3A_133 = tpu.memref_squeeze %dma_wait3A_132 : memref<1x128x128xf32, #tpu.memory_space<hbm>> -> memref<128x128xf32, #tpu.memory_space<hbm>>
        %dma_wait3A_134 = arith.constant 0 : i32
        %dma_wait3A_135 = arith.constant 0 : i32
        %dma_wait3A_136 = tpu.memref_slice %arg5[%add3A_85, %dma_wait3A_134, %dma_wait3A_135] : memref<2048x128x128xf32, #tpu.memory_space<hbm>> -> memref<1x128x128xf32, #tpu.memory_space<hbm>>
        %dma_wait3A_137 = tpu.memref_squeeze %dma_wait3A_136 : memref<1x128x128xf32, #tpu.memory_space<hbm>> -> memref<128x128xf32, #tpu.memory_space<hbm>>
        tpu.wait_dma2 semaphore(%run_scoped3A : memref<!tpu.dma_semaphore, #tpu.memory_space<semaphore_mem>>) src(%arg8 : memref<128x128xf32, #tpu.memory_space<vmem>>) dst(%dma_wait3A_137 : memref<128x128xf32, #tpu.memory_space<hbm>>)
        tpu.yield
      }) : () -> ()
      %add3A_86 = arith.constant 2 : i32
      %add3A_87 = arith.addi %mul3A_52, %add3A_86 : i32
      %min3A = arith.constant 62 : i32
      %min3A_88 = arith.minsi %add3A_87, %min3A : i32
      %dma_start3A_89 = arith.constant 0 : i32
      %dma_start3A_90 = tpu.memref_slice %arg6[%min3A_88, %dma_start3A_89] : memref<64x128xi32, #tpu.memory_space<vmem>> -> memref<1x128xi32, #tpu.memory_space<vmem>>
      %dma_start3A_91 = tpu.memref_squeeze %dma_start3A_90 : memref<1x128xi32, #tpu.memory_space<vmem>> -> memref<128xi32, #tpu.memory_space<vmem>>
      %dma_start3A_92 = arith.constant 0 : i32
      %dma_start3A_93 = arith.constant 0 : i32
      %dma_start3A_94 = tpu.memref_slice %arg2[%dma_start3A_92, %dma_start3A_93] : memref<8192x128xf32, #tpu.memory_space<hbm>> -> memref<8192x128xf32, #tpu.memory_space<hbm>>
      tpu.enqueue_indirect_dma source(%dma_start3A_94 : memref<8192x128xf32, #tpu.memory_space<hbm>>) target(%arg8 : memref<128x128xf32, #tpu.memory_space<vmem>>) offsets(%dma_start3A_91 : memref<128xi32, #tpu.memory_space<vmem>>) semaphore(%arg12 : memref<!tpu.dma_semaphore, #tpu.memory_space<semaphore_mem>>)
      %dma_start3A_95 = arith.constant 0 : i32
      %dma_start3A_96 = tpu.memref_slice %arg7[%min3A_88, %dma_start3A_95] : memref<64x128xi32, #tpu.memory_space<vmem>> -> memref<1x128xi32, #tpu.memory_space<vmem>>
      %dma_start3A_97 = tpu.memref_squeeze %dma_start3A_96 : memref<1x128xi32, #tpu.memory_space<vmem>> -> memref<128xi32, #tpu.memory_space<vmem>>
      %dma_start3A_98 = arith.constant 0 : i32
      %dma_start3A_99 = arith.constant 0 : i32
      %dma_start3A_100 = tpu.memref_slice %arg2[%dma_start3A_98, %dma_start3A_99] : memref<8192x128xf32, #tpu.memory_space<hbm>> -> memref<8192x128xf32, #tpu.memory_space<hbm>>
      tpu.enqueue_indirect_dma source(%dma_start3A_100 : memref<8192x128xf32, #tpu.memory_space<hbm>>) target(%arg10 : memref<128x128xf32, #tpu.memory_space<vmem>>) offsets(%dma_start3A_97 : memref<128xi32, #tpu.memory_space<vmem>>) semaphore(%arg12 : memref<!tpu.dma_semaphore, #tpu.memory_space<semaphore_mem>>)
      %add3A_101 = arith.constant 1 : i32
      %add3A_102 = arith.addi %mul3A_52, %add3A_101 : i32
      %dma_wait3A_103 = arith.constant 0 : i32
      %dma_wait3A_104 = tpu.memref_slice %arg6[%add3A_102, %dma_wait3A_103] : memref<64x128xi32, #tpu.memory_space<vmem>> -> memref<1x128xi32, #tpu.memory_space<vmem>>
      %dma_wait3A_105 = tpu.memref_squeeze %dma_wait3A_104 : memref<1x128xi32, #tpu.memory_space<vmem>> -> memref<128xi32, #tpu.memory_space<vmem>>
      %dma_wait3A_106 = arith.constant 0 : i32
      %dma_wait3A_107 = arith.constant 0 : i32
      %dma_wait3A_108 = tpu.memref_slice %arg2[%dma_wait3A_106, %dma_wait3A_107] : memref<8192x128xf32, #tpu.memory_space<hbm>> -> memref<8192x128xf32, #tpu.memory_space<hbm>>
      tpu.wait_indirect_dma semaphore(%arg13 : memref<!tpu.dma_semaphore, #tpu.memory_space<semaphore_mem>>) src(%dma_wait3A_108 : memref<8192x128xf32, #tpu.memory_space<hbm>>) dst(%arg9 : memref<128x128xf32, #tpu.memory_space<vmem>>)
      %dma_wait3A_109 = arith.constant 0 : i32
      %dma_wait3A_110 = tpu.memref_slice %arg7[%add3A_102, %dma_wait3A_109] : memref<64x128xi32, #tpu.memory_space<vmem>> -> memref<1x128xi32, #tpu.memory_space<vmem>>
      %dma_wait3A_111 = tpu.memref_squeeze %dma_wait3A_110 : memref<1x128xi32, #tpu.memory_space<vmem>> -> memref<128xi32, #tpu.memory_space<vmem>>
      %dma_wait3A_112 = arith.constant 0 : i32
      %dma_wait3A_113 = arith.constant 0 : i32
      %dma_wait3A_114 = tpu.memref_slice %arg2[%dma_wait3A_112, %dma_wait3A_113] : memref<8192x128xf32, #tpu.memory_space<hbm>> -> memref<8192x128xf32, #tpu.memory_space<hbm>>
      tpu.wait_indirect_dma semaphore(%arg13 : memref<!tpu.dma_semaphore, #tpu.memory_space<semaphore_mem>>) src(%dma_wait3A_114 : memref<8192x128xf32, #tpu.memory_space<hbm>>) dst(%arg11 : memref<128x128xf32, #tpu.memory_space<vmem>>)
      %scan3A_115 = arith.constant 0 : i32
      %scan3A_116 = arith.constant 0 : i32
      %scan3A_117 = arith.constant 128 : i32
      %scan3A_118 = arith.addi %scan3A_116, %scan3A_117 : i32
      %scan3A_119 = arith.constant 2 : i32
      scf.for %scan3A_122 = %scan3A_116 to %scan3A_118 step %scan3A_119  : i32 {
        %get3A = arith.index_cast %scan3A_122 : i32 to index
        %get3A_123 = arith.constant 0 : index
        %get3A_124 = tpu.vector_load %arg9[%get3A, %get3A_123] {strides = array<i32>} : memref<128x128xf32, #tpu.memory_space<vmem>>, vector<1x16xf32>,
        %get3A_125 = vector.shape_cast %get3A_124 : vector<1x16xf32> to vector<16xf32>
        %get3A_126 = arith.index_cast %scan3A_122 : i32 to index
        %get3A_127 = arith.constant 0 : index
        %get3A_128 = tpu.vector_load %arg11[%get3A_126, %get3A_127] {strides = array<i32>} : memref<128x128xf32, #tpu.memory_space<vmem>>, vector<1x16xf32>,
        %get3A_129 = vector.shape_cast %get3A_128 : vector<1x16xf32> to vector<16xf32>
        %mul3A_130 = arith.mulf %get3A_125, %get3A_129 : vector<16xf32>
        %swap3A = arith.index_cast %scan3A_122 : i32 to index
        %swap3A_131 = arith.constant 0 : index
        %swap3A_132 = tpu.vector_load %arg9[%swap3A, %swap3A_131] {strides = array<i32>} : memref<128x128xf32, #tpu.memory_space<vmem>>, vector<1x16xf32>,
        %swap3A_133 = vector.shape_cast %swap3A_132 : vector<1x16xf32> to vector<16xf32>
        %swap3A_134 = vector.shape_cast %mul3A_130 : vector<16xf32> to vector<1x16xf32>
        tpu.vector_store %arg9[%swap3A, %swap3A_131], %swap3A_134 {strides = array<i32>} : memref<128x128xf32, #tpu.memory_space<vmem>>, vector<1x16xf32>,
        %get3A_135 = arith.index_cast %scan3A_122 : i32 to index
        %get3A_136 = arith.constant 16 : index
        %get3A_137 = tpu.vector_load %arg9[%get3A_135, %get3A_136] {strides = array<i32>} : memref<128x128xf32, #tpu.memory_space<vmem>>, vector<1x16xf32>,
        %get3A_138 = vector.shape_cast %get3A_137 : vector<1x16xf32> to vector<16xf32>
        %get3A_139 = arith.index_cast %scan3A_122 : i32 to index
        %get3A_140 = arith.constant 16 : index
        %get3A_141 = tpu.vector_load %arg11[%get3A_139, %get3A_140] {strides = array<i32>} : memref<128x128xf32, #tpu.memory_space<vmem>>, vector<1x16xf32>,
        %get3A_142 = vector.shape_cast %get3A_141 : vector<1x16xf32> to vector<16xf32>
        %mul3A_143 = arith.mulf %get3A_138, %get3A_142 : vector<16xf32>
        %swap3A_144 = arith.index_cast %scan3A_122 : i32 to index
        %swap3A_145 = arith.constant 16 : index
        %swap3A_146 = tpu.vector_load %arg9[%swap3A_144, %swap3A_145] {strides = array<i32>} : memref<128x128xf32, #tpu.memory_space<vmem>>, vector<1x16xf32>,
        %swap3A_147 = vector.shape_cast %swap3A_146 : vector<1x16xf32> to vector<16xf32>
        %swap3A_148 = vector.shape_cast %mul3A_143 : vector<16xf32> to vector<1x16xf32>
        tpu.vector_store %arg9[%swap3A_144, %swap3A_145], %swap3A_148 {strides = array<i32>} : memref<128x128xf32, #tpu.memory_space<vmem>>, vector<1x16xf32>,
        %get3A_149 = arith.index_cast %scan3A_122 : i32 to index
        %get3A_150 = arith.constant 32 : index
        %get3A_151 = tpu.vector_load %arg9[%get3A_149, %get3A_150] {strides = array<i32>} : memref<128x128xf32, #tpu.memory_space<vmem>>, vector<1x16xf32>,
        %get3A_152 = vector.shape_cast %get3A_151 : vector<1x16xf32> to vector<16xf32>
        %get3A_153 = arith.index_cast %scan3A_122 : i32 to index
        %get3A_154 = arith.constant 32 : index
        %get3A_155 = tpu.vector_load %arg11[%get3A_153, %get3A_154] {strides = array<i32>} : memref<128x128xf32, #tpu.memory_space<vmem>>, vector<1x16xf32>,
        %get3A_156 = vector.shape_cast %get3A_155 : vector<1x16xf32> to vector<16xf32>
        %mul3A_157 = arith.mulf %get3A_152, %get3A_156 : vector<16xf32>
        %swap3A_158 = arith.index_cast %scan3A_122 : i32 to index
        %swap3A_159 = arith.constant 32 : index
        %swap3A_160 = tpu.vector_load %arg9[%swap3A_158, %swap3A_159] {strides = array<i32>} : memref<128x128xf32, #tpu.memory_space<vmem>>, vector<1x16xf32>,
        %swap3A_161 = vector.shape_cast %swap3A_160 : vector<1x16xf32> to vector<16xf32>
        %swap3A_162 = vector.shape_cast %mul3A_157 : vector<16xf32> to vector<1x16xf32>
        tpu.vector_store %arg9[%swap3A_158, %swap3A_159], %swap3A_162 {strides = array<i32>} : memref<128x128xf32, #tpu.memory_space<vmem>>, vector<1x16xf32>,
        %get3A_163 = arith.index_cast %scan3A_122 : i32 to index
        %get3A_164 = arith.constant 48 : index
        %get3A_165 = tpu.vector_load %arg9[%get3A_163, %get3A_164] {strides = array<i32>} : memref<128x128xf32, #tpu.memory_space<vmem>>, vector<1x16xf32>,
        %get3A_166 = vector.shape_cast %get3A_165 : vector<1x16xf32> to vector<16xf32>
        %get3A_167 = arith.index_cast %scan3A_122 : i32 to index
        %get3A_168 = arith.constant 48 : index
        %get3A_169 = tpu.vector_load %arg11[%get3A_167, %get3A_168] {strides = array<i32>} : memref<128x128xf32, #tpu.memory_space<vmem>>, vector<1x16xf32>,
        %get3A_170 = vector.shape_cast %get3A_169 : vector<1x16xf32> to vector<16xf32>
        %mul3A_171 = arith.mulf %get3A_166, %get3A_170 : vector<16xf32>
        %swap3A_172 = arith.index_cast %scan3A_122 : i32 to index
        %swap3A_173 = arith.constant 48 : index
        %swap3A_174 = tpu.vector_load %arg9[%swap3A_172, %swap3A_173] {strides = array<i32>} : memref<128x128xf32, #tpu.memory_space<vmem>>, vector<1x16xf32>,
        %swap3A_175 = vector.shape_cast %swap3A_174 : vector<1x16xf32> to vector<16xf32>
        %swap3A_176 = vector.shape_cast %mul3A_171 : vector<16xf32> to vector<1x16xf32>
        tpu.vector_store %arg9[%swap3A_172, %swap3A_173], %swap3A_176 {strides = array<i32>} : memref<128x128xf32, #tpu.memory_space<vmem>>, vector<1x16xf32>,
        %get3A_177 = arith.index_cast %scan3A_122 : i32 to index
        %get3A_178 = arith.constant 64 : index
        %get3A_179 = tpu.vector_load %arg9[%get3A_177, %get3A_178] {strides = array<i32>} : memref<128x128xf32, #tpu.memory_space<vmem>>, vector<1x16xf32>,
        %get3A_180 = vector.shape_cast %get3A_179 : vector<1x16xf32> to vector<16xf32>
        %get3A_181 = arith.index_cast %scan3A_122 : i32 to index
        %get3A_182 = arith.constant 64 : index
        %get3A_183 = tpu.vector_load %arg11[%get3A_181, %get3A_182] {strides = array<i32>} : memref<128x128xf32, #tpu.memory_space<vmem>>, vector<1x16xf32>,
        %get3A_184 = vector.shape_cast %get3A_183 : vector<1x16xf32> to vector<16xf32>
        %mul3A_185 = arith.mulf %get3A_180, %get3A_184 : vector<16xf32>
        %swap3A_186 = arith.index_cast %scan3A_122 : i32 to index
        %swap3A_187 = arith.constant 64 : index
        %swap3A_188 = tpu.vector_load %arg9[%swap3A_186, %swap3A_187] {strides = array<i32>} : memref<128x128xf32, #tpu.memory_space<vmem>>, vector<1x16xf32>,
        %swap3A_189 = vector.shape_cast %swap3A_188 : vector<1x16xf32> to vector<16xf32>
        %swap3A_190 = vector.shape_cast %mul3A_185 : vector<16xf32> to vector<1x16xf32>
        tpu.vector_store %arg9[%swap3A_186, %swap3A_187], %swap3A_190 {strides = array<i32>} : memref<128x128xf32, #tpu.memory_space<vmem>>, vector<1x16xf32>,
        %get3A_191 = arith.index_cast %scan3A_122 : i32 to index
        %get3A_192 = arith.constant 80 : index
        %get3A_193 = tpu.vector_load %arg9[%get3A_191, %get3A_192] {strides = array<i32>} : memref<128x128xf32, #tpu.memory_space<vmem>>, vector<1x16xf32>,
        %get3A_194 = vector.shape_cast %get3A_193 : vector<1x16xf32> to vector<16xf32>
        %get3A_195 = arith.index_cast %scan3A_122 : i32 to index
        %get3A_196 = arith.constant 80 : index
        %get3A_197 = tpu.vector_load %arg11[%get3A_195, %get3A_196] {strides = array<i32>} : memref<128x128xf32, #tpu.memory_space<vmem>>, vector<1x16xf32>,
        %get3A_198 = vector.shape_cast %get3A_197 : vector<1x16xf32> to vector<16xf32>
        %mul3A_199 = arith.mulf %get3A_194, %get3A_198 : vector<16xf32>
        %swap3A_200 = arith.index_cast %scan3A_122 : i32 to index
        %swap3A_201 = arith.constant 80 : index
        %swap3A_202 = tpu.vector_load %arg9[%swap3A_200, %swap3A_201] {strides = array<i32>} : memref<128x128xf32, #tpu.memory_space<vmem>>, vector<1x16xf32>,
        %swap3A_203 = vector.shape_cast %swap3A_202 : vector<1x16xf32> to vector<16xf32>
        %swap3A_204 = vector.shape_cast %mul3A_199 : vector<16xf32> to vector<1x16xf32>
        tpu.vector_store %arg9[%swap3A_200, %swap3A_201], %swap3A_204 {strides = array<i32>} : memref<128x128xf32, #tpu.memory_space<vmem>>, vector<1x16xf32>,
        %get3A_205 = arith.index_cast %scan3A_122 : i32 to index
        %get3A_206 = arith.constant 96 : index
        %get3A_207 = tpu.vector_load %arg9[%get3A_205, %get3A_206] {strides = array<i32>} : memref<128x128xf32, #tpu.memory_space<vmem>>, vector<1x16xf32>,
        %get3A_208 = vector.shape_cast %get3A_207 : vector<1x16xf32> to vector<16xf32>
        %get3A_209 = arith.index_cast %scan3A_122 : i32 to index
        %get3A_210 = arith.constant 96 : index
        %get3A_211 = tpu.vector_load %arg11[%get3A_209, %get3A_210] {strides = array<i32>} : memref<128x128xf32, #tpu.memory_space<vmem>>, vector<1x16xf32>,
        %get3A_212 = vector.shape_cast %get3A_211 : vector<1x16xf32> to vector<16xf32>
        %mul3A_213 = arith.mulf %get3A_208, %get3A_212 : vector<16xf32>
        %swap3A_214 = arith.index_cast %scan3A_122 : i32 to index
        %swap3A_215 = arith.constant 96 : index
        %swap3A_216 = tpu.vector_load %arg9[%swap3A_214, %swap3A_215] {strides = array<i32>} : memref<128x128xf32, #tpu.memory_space<vmem>>, vector<1x16xf32>,
        %swap3A_217 = vector.shape_cast %swap3A_216 : vector<1x16xf32> to vector<16xf32>
        %swap3A_218 = vector.shape_cast %mul3A_213 : vector<16xf32> to vector<1x16xf32>
        tpu.vector_store %arg9[%swap3A_214, %swap3A_215], %swap3A_218 {strides = array<i32>} : memref<128x128xf32, #tpu.memory_space<vmem>>, vector<1x16xf32>,
        %get3A_219 = arith.index_cast %scan3A_122 : i32 to index
        %get3A_220 = arith.constant 112 : index
        %get3A_221 = tpu.vector_load %arg9[%get3A_219, %get3A_220] {strides = array<i32>} : memref<128x128xf32, #tpu.memory_space<vmem>>, vector<1x16xf32>,
        %get3A_222 = vector.shape_cast %get3A_221 : vector<1x16xf32> to vector<16xf32>
        %get3A_223 = arith.index_cast %scan3A_122 : i32 to index
        %get3A_224 = arith.constant 112 : index
        %get3A_225 = tpu.vector_load %arg11[%get3A_223, %get3A_224] {strides = array<i32>} : memref<128x128xf32, #tpu.memory_space<vmem>>, vector<1x16xf32>,
        %get3A_226 = vector.shape_cast %get3A_225 : vector<1x16xf32> to vector<16xf32>
        %mul3A_227 = arith.mulf %get3A_222, %get3A_226 : vector<16xf32>
        %swap3A_228 = arith.index_cast %scan3A_122 : i32 to index
        %swap3A_229 = arith.constant 112 : index
        %swap3A_230 = tpu.vector_load %arg9[%swap3A_228, %swap3A_229] {strides = array<i32>} : memref<128x128xf32, #tpu.memory_space<vmem>>, vector<1x16xf32>,
        %swap3A_231 = vector.shape_cast %swap3A_230 : vector<1x16xf32> to vector<16xf32>
        %swap3A_232 = vector.shape_cast %mul3A_227 : vector<16xf32> to vector<1x16xf32>
        tpu.vector_store %arg9[%swap3A_228, %swap3A_229], %swap3A_232 {strides = array<i32>} : memref<128x128xf32, #tpu.memory_space<vmem>>, vector<1x16xf32>,
        %scan3A_233 = arith.constant 1 : i32
        %scan3A_234 = arith.addi %scan3A_122, %scan3A_233 : i32
        %get3A_235 = arith.index_cast %scan3A_234 : i32 to index
        %get3A_236 = arith.constant 0 : index
        %get3A_237 = tpu.vector_load %arg9[%get3A_235, %get3A_236] {strides = array<i32>} : memref<128x128xf32, #tpu.memory_space<vmem>>, vector<1x16xf32>,
        %get3A_238 = vector.shape_cast %get3A_237 : vector<1x16xf32> to vector<16xf32>
        %get3A_239 = arith.index_cast %scan3A_234 : i32 to index
        %get3A_240 = arith.constant 0 : index
        %get3A_241 = tpu.vector_load %arg11[%get3A_239, %get3A_240] {strides = array<i32>} : memref<128x128xf32, #tpu.memory_space<vmem>>, vector<1x16xf32>,
        %get3A_242 = vector.shape_cast %get3A_241 : vector<1x16xf32> to vector<16xf32>
        %mul3A_243 = arith.mulf %get3A_238, %get3A_242 : vector<16xf32>
        %swap3A_244 = arith.index_cast %scan3A_234 : i32 to index
        %swap3A_245 = arith.constant 0 : index
        %swap3A_246 = tpu.vector_load %arg9[%swap3A_244, %swap3A_245] {strides = array<i32>} : memref<128x128xf32, #tpu.memory_space<vmem>>, vector<1x16xf32>,
        %swap3A_247 = vector.shape_cast %swap3A_246 : vector<1x16xf32> to vector<16xf32>
        %swap3A_248 = vector.shape_cast %mul3A_243 : vector<16xf32> to vector<1x16xf32>
        tpu.vector_store %arg9[%swap3A_244, %swap3A_245], %swap3A_248 {strides = array<i32>} : memref<128x128xf32, #tpu.memory_space<vmem>>, vector<1x16xf32>,
        %get3A_249 = arith.index_cast %scan3A_234 : i32 to index
        %get3A_250 = arith.constant 16 : index
        %get3A_251 = tpu.vector_load %arg9[%get3A_249, %get3A_250] {strides = array<i32>} : memref<128x128xf32, #tpu.memory_space<vmem>>, vector<1x16xf32>,
        %get3A_252 = vector.shape_cast %get3A_251 : vector<1x16xf32> to vector<16xf32>
        %get3A_253 = arith.index_cast %scan3A_234 : i32 to index
        %get3A_254 = arith.constant 16 : index
        %get3A_255 = tpu.vector_load %arg11[%get3A_253, %get3A_254] {strides = array<i32>} : memref<128x128xf32, #tpu.memory_space<vmem>>, vector<1x16xf32>,
        %get3A_256 = vector.shape_cast %get3A_255 : vector<1x16xf32> to vector<16xf32>
        %mul3A_257 = arith.mulf %get3A_252, %get3A_256 : vector<16xf32>
        %swap3A_258 = arith.index_cast %scan3A_234 : i32 to index
        %swap3A_259 = arith.constant 16 : index
        %swap3A_260 = tpu.vector_load %arg9[%swap3A_258, %swap3A_259] {strides = array<i32>} : memref<128x128xf32, #tpu.memory_space<vmem>>, vector<1x16xf32>,
        %swap3A_261 = vector.shape_cast %swap3A_260 : vector<1x16xf32> to vector<16xf32>
        %swap3A_262 = vector.shape_cast %mul3A_257 : vector<16xf32> to vector<1x16xf32>
        tpu.vector_store %arg9[%swap3A_258, %swap3A_259], %swap3A_262 {strides = array<i32>} : memref<128x128xf32, #tpu.memory_space<vmem>>, vector<1x16xf32>,
        %get3A_263 = arith.index_cast %scan3A_234 : i32 to index
        %get3A_264 = arith.constant 32 : index
        %get3A_265 = tpu.vector_load %arg9[%get3A_263, %get3A_264] {strides = array<i32>} : memref<128x128xf32, #tpu.memory_space<vmem>>, vector<1x16xf32>,
        %get3A_266 = vector.shape_cast %get3A_265 : vector<1x16xf32> to vector<16xf32>
        %get3A_267 = arith.index_cast %scan3A_234 : i32 to index
        %get3A_268 = arith.constant 32 : index
        %get3A_269 = tpu.vector_load %arg11[%get3A_267, %get3A_268] {strides = array<i32>} : memref<128x128xf32, #tpu.memory_space<vmem>>, vector<1x16xf32>,
        %get3A_270 = vector.shape_cast %get3A_269 : vector<1x16xf32> to vector<16xf32>
        %mul3A_271 = arith.mulf %get3A_266, %get3A_270 : vector<16xf32>
        %swap3A_272 = arith.index_cast %scan3A_234 : i32 to index
        %swap3A_273 = arith.constant 32 : index
        %swap3A_274 = tpu.vector_load %arg9[%swap3A_272, %swap3A_273] {strides = array<i32>} : memref<128x128xf32, #tpu.memory_space<vmem>>, vector<1x16xf32>,
        %swap3A_275 = vector.shape_cast %swap3A_274 : vector<1x16xf32> to vector<16xf32>
        %swap3A_276 = vector.shape_cast %mul3A_271 : vector<16xf32> to vector<1x16xf32>
        tpu.vector_store %arg9[%swap3A_272, %swap3A_273], %swap3A_276 {strides = array<i32>} : memref<128x128xf32, #tpu.memory_space<vmem>>, vector<1x16xf32>,
        %get3A_277 = arith.index_cast %scan3A_234 : i32 to index
        %get3A_278 = arith.constant 48 : index
        %get3A_279 = tpu.vector_load %arg9[%get3A_277, %get3A_278] {strides = array<i32>} : memref<128x128xf32, #tpu.memory_space<vmem>>, vector<1x16xf32>,
        %get3A_280 = vector.shape_cast %get3A_279 : vector<1x16xf32> to vector<16xf32>
        %get3A_281 = arith.index_cast %scan3A_234 : i32 to index
        %get3A_282 = arith.constant 48 : index
        %get3A_283 = tpu.vector_load %arg11[%get3A_281, %get3A_282] {strides = array<i32>} : memref<128x128xf32, #tpu.memory_space<vmem>>, vector<1x16xf32>,
        %get3A_284 = vector.shape_cast %get3A_283 : vector<1x16xf32> to vector<16xf32>
        %mul3A_285 = arith.mulf %get3A_280, %get3A_284 : vector<16xf32>
        %swap3A_286 = arith.index_cast %scan3A_234 : i32 to index
        %swap3A_287 = arith.constant 48 : index
        %swap3A_288 = tpu.vector_load %arg9[%swap3A_286, %swap3A_287] {strides = array<i32>} : memref<128x128xf32, #tpu.memory_space<vmem>>, vector<1x16xf32>,
        %swap3A_289 = vector.shape_cast %swap3A_288 : vector<1x16xf32> to vector<16xf32>
        %swap3A_290 = vector.shape_cast %mul3A_285 : vector<16xf32> to vector<1x16xf32>
        tpu.vector_store %arg9[%swap3A_286, %swap3A_287], %swap3A_290 {strides = array<i32>} : memref<128x128xf32, #tpu.memory_space<vmem>>, vector<1x16xf32>,
        %get3A_291 = arith.index_cast %scan3A_234 : i32 to index
        %get3A_292 = arith.constant 64 : index
        %get3A_293 = tpu.vector_load %arg9[%get3A_291, %get3A_292] {strides = array<i32>} : memref<128x128xf32, #tpu.memory_space<vmem>>, vector<1x16xf32>,
        %get3A_294 = vector.shape_cast %get3A_293 : vector<1x16xf32> to vector<16xf32>
        %get3A_295 = arith.index_cast %scan3A_234 : i32 to index
        %get3A_296 = arith.constant 64 : index
        %get3A_297 = tpu.vector_load %arg11[%get3A_295, %get3A_296] {strides = array<i32>} : memref<128x128xf32, #tpu.memory_space<vmem>>, vector<1x16xf32>,
        %get3A_298 = vector.shape_cast %get3A_297 : vector<1x16xf32> to vector<16xf32>
        %mul3A_299 = arith.mulf %get3A_294, %get3A_298 : vector<16xf32>
        %swap3A_300 = arith.index_cast %scan3A_234 : i32 to index
        %swap3A_301 = arith.constant 64 : index
        %swap3A_302 = tpu.vector_load %arg9[%swap3A_300, %swap3A_301] {strides = array<i32>} : memref<128x128xf32, #tpu.memory_space<vmem>>, vector<1x16xf32>,
        %swap3A_303 = vector.shape_cast %swap3A_302 : vector<1x16xf32> to vector<16xf32>
        %swap3A_304 = vector.shape_cast %mul3A_299 : vector<16xf32> to vector<1x16xf32>
        tpu.vector_store %arg9[%swap3A_300, %swap3A_301], %swap3A_304 {strides = array<i32>} : memref<128x128xf32, #tpu.memory_space<vmem>>, vector<1x16xf32>,
        %get3A_305 = arith.index_cast %scan3A_234 : i32 to index
        %get3A_306 = arith.constant 80 : index
        %get3A_307 = tpu.vector_load %arg9[%get3A_305, %get3A_306] {strides = array<i32>} : memref<128x128xf32, #tpu.memory_space<vmem>>, vector<1x16xf32>,
        %get3A_308 = vector.shape_cast %get3A_307 : vector<1x16xf32> to vector<16xf32>
        %get3A_309 = arith.index_cast %scan3A_234 : i32 to index
        %get3A_310 = arith.constant 80 : index
        %get3A_311 = tpu.vector_load %arg11[%get3A_309, %get3A_310] {strides = array<i32>} : memref<128x128xf32, #tpu.memory_space<vmem>>, vector<1x16xf32>,
        %get3A_312 = vector.shape_cast %get3A_311 : vector<1x16xf32> to vector<16xf32>
        %mul3A_313 = arith.mulf %get3A_308, %get3A_312 : vector<16xf32>
        %swap3A_314 = arith.index_cast %scan3A_234 : i32 to index
        %swap3A_315 = arith.constant 80 : index
        %swap3A_316 = tpu.vector_load %arg9[%swap3A_314, %swap3A_315] {strides = array<i32>} : memref<128x128xf32, #tpu.memory_space<vmem>>, vector<1x16xf32>,
        %swap3A_317 = vector.shape_cast %swap3A_316 : vector<1x16xf32> to vector<16xf32>
        %swap3A_318 = vector.shape_cast %mul3A_313 : vector<16xf32> to vector<1x16xf32>
        tpu.vector_store %arg9[%swap3A_314, %swap3A_315], %swap3A_318 {strides = array<i32>} : memref<128x128xf32, #tpu.memory_space<vmem>>, vector<1x16xf32>,
        %get3A_319 = arith.index_cast %scan3A_234 : i32 to index
        %get3A_320 = arith.constant 96 : index
        %get3A_321 = tpu.vector_load %arg9[%get3A_319, %get3A_320] {strides = array<i32>} : memref<128x128xf32, #tpu.memory_space<vmem>>, vector<1x16xf32>,
        %get3A_322 = vector.shape_cast %get3A_321 : vector<1x16xf32> to vector<16xf32>
        %get3A_323 = arith.index_cast %scan3A_234 : i32 to index
        %get3A_324 = arith.constant 96 : index
        %get3A_325 = tpu.vector_load %arg11[%get3A_323, %get3A_324] {strides = array<i32>} : memref<128x128xf32, #tpu.memory_space<vmem>>, vector<1x16xf32>,
        %get3A_326 = vector.shape_cast %get3A_325 : vector<1x16xf32> to vector<16xf32>
        %mul3A_327 = arith.mulf %get3A_322, %get3A_326 : vector<16xf32>
        %swap3A_328 = arith.index_cast %scan3A_234 : i32 to index
        %swap3A_329 = arith.constant 96 : index
        %swap3A_330 = tpu.vector_load %arg9[%swap3A_328, %swap3A_329] {strides = array<i32>} : memref<128x128xf32, #tpu.memory_space<vmem>>, vector<1x16xf32>,
        %swap3A_331 = vector.shape_cast %swap3A_330 : vector<1x16xf32> to vector<16xf32>
        %swap3A_332 = vector.shape_cast %mul3A_327 : vector<16xf32> to vector<1x16xf32>
        tpu.vector_store %arg9[%swap3A_328, %swap3A_329], %swap3A_332 {strides = array<i32>} : memref<128x128xf32, #tpu.memory_space<vmem>>, vector<1x16xf32>,
        %get3A_333 = arith.index_cast %scan3A_234 : i32 to index
        %get3A_334 = arith.constant 112 : index
        %get3A_335 = tpu.vector_load %arg9[%get3A_333, %get3A_334] {strides = array<i32>} : memref<128x128xf32, #tpu.memory_space<vmem>>, vector<1x16xf32>,
        %get3A_336 = vector.shape_cast %get3A_335 : vector<1x16xf32> to vector<16xf32>
        %get3A_337 = arith.index_cast %scan3A_234 : i32 to index
        %get3A_338 = arith.constant 112 : index
        %get3A_339 = tpu.vector_load %arg11[%get3A_337, %get3A_338] {strides = array<i32>} : memref<128x128xf32, #tpu.memory_space<vmem>>, vector<1x16xf32>,
        %get3A_340 = vector.shape_cast %get3A_339 : vector<1x16xf32> to vector<16xf32>
        %mul3A_341 = arith.mulf %get3A_336, %get3A_340 : vector<16xf32>
        %swap3A_342 = arith.index_cast %scan3A_234 : i32 to index
        %swap3A_343 = arith.constant 112 : index
        %swap3A_344 = tpu.vector_load %arg9[%swap3A_342, %swap3A_343] {strides = array<i32>} : memref<128x128xf32, #tpu.memory_space<vmem>>, vector<1x16xf32>,
        %swap3A_345 = vector.shape_cast %swap3A_344 : vector<1x16xf32> to vector<16xf32>
        %swap3A_346 = vector.shape_cast %mul3A_341 : vector<16xf32> to vector<1x16xf32>
        tpu.vector_store %arg9[%swap3A_342, %swap3A_343], %swap3A_346 {strides = array<i32>} : memref<128x128xf32, #tpu.memory_space<vmem>>, vector<1x16xf32>,
      }
      %scan3A_120 = arith.constant 128 : i32
      %add3A_121 = arith.addi %mul3A_2, %add3A_102 : i32
      "tpu.region"() ({
        %run_scoped3A = tpu.sem_alloc : memref<!tpu.dma_semaphore, #tpu.memory_space<semaphore_mem>>
        %dma_start3A_122 = arith.constant 0 : i32
        %dma_start3A_123 = arith.constant 0 : i32
        %dma_start3A_124 = tpu.memref_slice %arg5[%add3A_121, %dma_start3A_122, %dma_start3A_123] : memref<2048x128x128xf32, #tpu.memory_space<hbm>> -> memref<1x128x128xf32, #tpu.memory_space<hbm>>
        %dma_start3A_125 = tpu.memref_squeeze %dma_start3A_124 : memref<1x128x128xf32, #tpu.memory_space<hbm>> -> memref<128x128xf32, #tpu.memory_space<hbm>>
        %dma_start3A_126 = arith.constant 0 : i32
        %dma_start3A_127 = arith.constant 0 : i32
        %dma_start3A_128 = tpu.memref_slice %arg5[%add3A_121, %dma_start3A_126, %dma_start3A_127] : memref<2048x128x128xf32, #tpu.memory_space<hbm>> -> memref<1x128x128xf32, #tpu.memory_space<hbm>>
        %dma_start3A_129 = tpu.memref_squeeze %dma_start3A_128 : memref<1x128x128xf32, #tpu.memory_space<hbm>> -> memref<128x128xf32, #tpu.memory_space<hbm>>
        tpu.enqueue_dma source(%arg9 : memref<128x128xf32, #tpu.memory_space<vmem>>) target(%dma_start3A_129 : memref<128x128xf32, #tpu.memory_space<hbm>>) target_semaphore(%run_scoped3A : memref<!tpu.dma_semaphore, #tpu.memory_space<semaphore_mem>>)
        %dma_wait3A_130 = arith.constant 0 : i32
        %dma_wait3A_131 = arith.constant 0 : i32
        %dma_wait3A_132 = tpu.memref_slice %arg5[%add3A_121, %dma_wait3A_130, %dma_wait3A_131] : memref<2048x128x128xf32, #tpu.memory_space<hbm>> -> memref<1x128x128xf32, #tpu.memory_space<hbm>>
        %dma_wait3A_133 = tpu.memref_squeeze %dma_wait3A_132 : memref<1x128x128xf32, #tpu.memory_space<hbm>> -> memref<128x128xf32, #tpu.memory_space<hbm>>
        %dma_wait3A_134 = arith.constant 0 : i32
        %dma_wait3A_135 = arith.constant 0 : i32
        %dma_wait3A_136 = tpu.memref_slice %arg5[%add3A_121, %dma_wait3A_134, %dma_wait3A_135] : memref<2048x128x128xf32, #tpu.memory_space<hbm>> -> memref<1x128x128xf32, #tpu.memory_space<hbm>>
        %dma_wait3A_137 = tpu.memref_squeeze %dma_wait3A_136 : memref<1x128x128xf32, #tpu.memory_space<hbm>> -> memref<128x128xf32, #tpu.memory_space<hbm>>
        tpu.wait_dma2 semaphore(%run_scoped3A : memref<!tpu.dma_semaphore, #tpu.memory_space<semaphore_mem>>) src(%arg9 : memref<128x128xf32, #tpu.memory_space<vmem>>) dst(%dma_wait3A_137 : memref<128x128xf32, #tpu.memory_space<hbm>>)
        tpu.yield
      }) : () -> ()
    }
    %scan3A_35 = arith.constant 32 : i32
    %dma_wait3A_36 = arith.constant 62 : i32
    %dma_wait3A_37 = arith.constant 0 : i32
    %dma_wait3A_38 = tpu.memref_slice %arg6[%dma_wait3A_36, %dma_wait3A_37] : memref<64x128xi32, #tpu.memory_space<vmem>> -> memref<1x128xi32, #tpu.memory_space<vmem>>
    %dma_wait3A_39 = tpu.memref_squeeze %dma_wait3A_38 : memref<1x128xi32, #tpu.memory_space<vmem>> -> memref<128xi32, #tpu.memory_space<vmem>>
    %dma_wait3A_40 = arith.constant 0 : i32
    %dma_wait3A_41 = arith.constant 0 : i32
    %dma_wait3A_42 = tpu.memref_slice %arg2[%dma_wait3A_40, %dma_wait3A_41] : memref<8192x128xf32, #tpu.memory_space<hbm>> -> memref<8192x128xf32, #tpu.memory_space<hbm>>
    tpu.wait_indirect_dma semaphore(%arg12 : memref<!tpu.dma_semaphore, #tpu.memory_space<semaphore_mem>>) src(%dma_wait3A_42 : memref<8192x128xf32, #tpu.memory_space<hbm>>) dst(%arg8 : memref<128x128xf32, #tpu.memory_space<vmem>>)
    %dma_wait3A_43 = arith.constant 62 : i32
    %dma_wait3A_44 = arith.constant 0 : i32
    %dma_wait3A_45 = tpu.memref_slice %arg7[%dma_wait3A_43, %dma_wait3A_44] : memref<64x128xi32, #tpu.memory_space<vmem>> -> memref<1x128xi32, #tpu.memory_space<vmem>>
    %dma_wait3A_46 = tpu.memref_squeeze %dma_wait3A_45 : memref<1x128xi32, #tpu.memory_space<vmem>> -> memref<128xi32, #tpu.memory_space<vmem>>
    %dma_wait3A_47 = arith.constant 0 : i32
    %dma_wait3A_48 = arith.constant 0 : i32
    %dma_wait3A_49 = tpu.memref_slice %arg2[%dma_wait3A_47, %dma_wait3A_48] : memref<8192x128xf32, #tpu.memory_space<hbm>> -> memref<8192x128xf32, #tpu.memory_space<hbm>>
    tpu.wait_indirect_dma semaphore(%arg12 : memref<!tpu.dma_semaphore, #tpu.memory_space<semaphore_mem>>) src(%dma_wait3A_49 : memref<8192x128xf32, #tpu.memory_space<hbm>>) dst(%arg10 : memref<128x128xf32, #tpu.memory_space<vmem>>)
    return
  }
}

module attributes {stable_mosaic.version = 14 : i64} {
  func.func @_in2f_body(%arg0: i32, %arg1: memref<1024x128xf32, #tpu.memory_space<vmem>>, %arg2: memref<128x128xf32, #tpu.memory_space<vmem>>, %arg3: memref<1024x128xf32, #tpu.memory_space<vmem>>) attributes {dimension_semantics = [#tpu.dimension_semantics<arbitrary>], iteration_bounds = array<i64: 8>, scalar_prefetch = 0 : i64, scratch_operands = 0 : i64, tpu.core_type = #tpu.core_type<tc>, window_params = [{transform_indices = @transform_0, window_bounds = array<i64: 1024, 128>}, {pipeline_mode = #tpu.pipeline_mode<synchronous>, transform_indices = @transform_1, window_bounds = array<i64: 128, 128>}, {transform_indices = @transform_2, window_bounds = array<i64: 1024, 128>}]} {
    %get3A = arith.constant 0 : index
    %get3A_0 = arith.constant 0 : index
    %get3A_1 = vector.load %arg1[%get3A, %get3A_0] : memref<1024x128xf32, #tpu.memory_space<vmem>>, vector<1024x128xf32>
    %get3A_2 = arith.constant 0 : index
    %get3A_3 = arith.constant 0 : index
    %get3A_4 = vector.load %arg2[%get3A_2, %get3A_3] : memref<128x128xf32, #tpu.memory_space<vmem>>, vector<128x128xf32>
    %dot_general3A = arith.constant dense<0.000000e+00> : vector<1024x128xf32>
    %dot_general3A_5 = tpu.matmul %get3A_1, %get3A_4, %dot_general3A {dimension_numbers = #tpu.dot_dimension_numbers<[1], [0], [0], [1], [0, 0, 1, 1], [], []>, transpose_lhs_hint = false} : vector<1024x128xf32>, vector<128x128xf32>, vector<1024x128xf32> -> vector<1024x128xf32>
    %swap3A = arith.constant 0 : index
    %swap3A_6 = arith.constant 0 : index
    %swap3A_7 = vector.load %arg3[%swap3A, %swap3A_6] : memref<1024x128xf32, #tpu.memory_space<vmem>>, vector<1024x128xf32>
    tpu.vector_store %arg3[%swap3A, %swap3A_6], %dot_general3A_5 {strides = array<i32>} : memref<1024x128xf32, #tpu.memory_space<vmem>>, vector<1024x128xf32>,
    return
  }
  func.func @transform_0(%arg0: i32) -> (i32, i32) {
    %c0_i32 = arith.constant 0 : i32
    %c0_i32_0 = arith.constant 0 : i32
    return %arg0, %c0_i32 : i32, i32
  }
  func.func @transform_1(%arg0: i32) -> (i32, i32) {
    %c0_i32 = arith.constant 0 : i32
    %c0_i32_0 = arith.constant 0 : i32
    %c0_i32_1 = arith.constant 0 : i32
    return %c0_i32, %c0_i32_0 : i32, i32
  }
  func.func @transform_2(%arg0: i32) -> (i32, i32) {
    %c0_i32 = arith.constant 0 : i32
    %c0_i32_0 = arith.constant 0 : i32
    return %arg0, %c0_i32 : i32, i32
  }
}

module attributes {stable_mosaic.version = 14 : i64} {
  func.func @_tc2_body(%arg0: i32, %arg1: i32, %arg2: memref<1x8192x16xf32, #tpu.memory_space<vmem>>, %arg3: memref<8192x128xf32, #tpu.memory_space<vmem>>, %arg4: memref<1x256x32xf32, #tpu.memory_space<vmem>>, %arg5: memref<16x128xf32, #tpu.memory_space<vmem>>, %arg6: memref<1x128xf32, #tpu.memory_space<vmem>>, %arg7: memref<128x128xf32, #tpu.memory_space<vmem>>, %arg8: memref<1x128xf32, #tpu.memory_space<vmem>>, %arg9: memref<128x128xf32, #tpu.memory_space<vmem>>, %arg10: memref<1x128xf32, #tpu.memory_space<vmem>>, %arg11: memref<1x256x128xf32, #tpu.memory_space<vmem>>) attributes {dimension_semantics = [#tpu.dimension_semantics<arbitrary>, #tpu.dimension_semantics<arbitrary>], iteration_bounds = array<i64: 8, 4>, scalar_prefetch = 0 : i64, scratch_operands = 0 : i64, tpu.core_type = #tpu.core_type<tc>, window_params = [{transform_indices = @transform_0, window_bounds = array<i64: 1, 8192, 16>}, {transform_indices = @transform_1, window_bounds = array<i64: 8192, 128>}, {transform_indices = @transform_2, window_bounds = array<i64: 1, 256, 32>}, {pipeline_mode = #tpu.pipeline_mode<synchronous>, transform_indices = @transform_3, window_bounds = array<i64: 16, 128>}, {pipeline_mode = #tpu.pipeline_mode<synchronous>, transform_indices = @transform_4, window_bounds = array<i64: 1, 128>}, {pipeline_mode = #tpu.pipeline_mode<synchronous>, transform_indices = @transform_5, window_bounds = array<i64: 128, 128>}, {pipeline_mode = #tpu.pipeline_mode<synchronous>, transform_indices = @transform_6, window_bounds = array<i64: 1, 128>}, {pipeline_mode = #tpu.pipeline_mode<synchronous>, transform_indices = @transform_7, window_bounds = array<i64: 128, 128>}, {pipeline_mode = #tpu.pipeline_mode<synchronous>, transform_indices = @transform_8, window_bounds = array<i64: 1, 128>}, {transform_indices = @transform_9, window_bounds = array<i64: 1, 256, 128>}]} {
    %get3A = arith.constant 0 : index
    %get3A_0 = arith.constant 0 : index
    %get3A_1 = arith.constant 0 : index
    %get3A_2 = vector.load %arg2[%get3A, %get3A_0, %get3A_1] : memref<1x8192x16xf32, #tpu.memory_space<vmem>>, vector<1x8192x16xf32>
    %get3A_3 = vector.shape_cast %get3A_2 : vector<1x8192x16xf32> to vector<8192x16xf32>
    %get3A_4 = arith.constant 0 : index
    %get3A_5 = arith.constant 0 : index
    %get3A_6 = vector.load %arg5[%get3A_4, %get3A_5] : memref<16x128xf32, #tpu.memory_space<vmem>>, vector<16x128xf32>
    %dot_general3A = arith.constant dense<0.000000e+00> : vector<8192x128xf32>
    %dot_general3A_7 = tpu.matmul %get3A_3, %get3A_6, %dot_general3A {dimension_numbers = #tpu.dot_dimension_numbers<[1], [0], [0], [1], [0, 0, 1, 1], [], []>, transpose_lhs_hint = false} : vector<8192x16xf32>, vector<16x128xf32>, vector<8192x128xf32> -> vector<8192x128xf32>
    %get3A_8 = arith.constant 0 : index
    %get3A_9 = arith.constant 0 : index
    %get3A_10 = vector.load %arg6[%get3A_8, %get3A_9] : memref<1x128xf32, #tpu.memory_space<vmem>>, vector<1x128xf32>
    %add3A = vector.broadcast %get3A_10 : vector<1x128xf32> to vector<8192x128xf32>
    %add3A_11 = arith.addf %dot_general3A_7, %add3A : vector<8192x128xf32>
    %max3A = arith.constant 0.000000e+00 : f32
    %max3A_12 = vector.broadcast %max3A : f32 to vector<8192x128xf32>
    %max3A_13 = arith.maximumf %add3A_11, %max3A_12 : vector<8192x128xf32>
    %abs3A = math.absf %add3A_11 : vector<8192x128xf32>
    %neg3A = arith.constant 0.000000e+00 : f32
    %neg3A_14 = vector.broadcast %neg3A : f32 to vector<8192x128xf32>
    %neg3A_15 = arith.subf %neg3A_14, %abs3A : vector<8192x128xf32>
    %exp3A = math.exp %neg3A_15 : vector<8192x128xf32>
    %log1p3A = math.log1p %exp3A : vector<8192x128xf32>
    %add3A_16 = arith.addf %max3A_13, %log1p3A : vector<8192x128xf32>
    %sub3A = arith.constant 0.693147182 : f32
    %sub3A_17 = vector.broadcast %sub3A : f32 to vector<8192x128xf32>
    %sub3A_18 = arith.subf %add3A_16, %sub3A_17 : vector<8192x128xf32>
    %get3A_19 = arith.constant 0 : index
    %get3A_20 = arith.constant 0 : index
    %get3A_21 = vector.load %arg7[%get3A_19, %get3A_20] : memref<128x128xf32, #tpu.memory_space<vmem>>, vector<128x128xf32>
    %dot_general3A_22 = arith.constant dense<0.000000e+00> : vector<8192x128xf32>
    %dot_general3A_23 = tpu.matmul %sub3A_18, %get3A_21, %dot_general3A_22 {dimension_numbers = #tpu.dot_dimension_numbers<[1], [0], [0], [1], [0, 0, 1, 1], [], []>, transpose_lhs_hint = false} : vector<8192x128xf32>, vector<128x128xf32>, vector<8192x128xf32> -> vector<8192x128xf32>
    %get3A_24 = arith.constant 0 : index
    %get3A_25 = arith.constant 0 : index
    %get3A_26 = vector.load %arg8[%get3A_24, %get3A_25] : memref<1x128xf32, #tpu.memory_space<vmem>>, vector<1x128xf32>
    %add3A_27 = vector.broadcast %get3A_26 : vector<1x128xf32> to vector<8192x128xf32>
    %add3A_28 = arith.addf %dot_general3A_23, %add3A_27 : vector<8192x128xf32>
    %get3A_29 = arith.constant 0 : index
    %get3A_30 = arith.constant 0 : index
    %get3A_31 = vector.load %arg3[%get3A_29, %get3A_30] : memref<8192x128xf32, #tpu.memory_space<vmem>>, vector<8192x128xf32>
    %mul3A = arith.mulf %add3A_28, %get3A_31 : vector<8192x128xf32>
    %reshape3A = vector.shape_cast %mul3A : vector<8192x128xf32> to vector<256x32x128xf32>
    %get3A_32 = arith.constant 0 : index
    %get3A_33 = arith.constant 0 : index
    %get3A_34 = arith.constant 0 : index
    %get3A_35 = vector.load %arg4[%get3A_32, %get3A_33, %get3A_34] : memref<1x256x32xf32, #tpu.memory_space<vmem>>, vector<1x256x32xf32>
    %get3A_36 = vector.shape_cast %get3A_35 : vector<1x256x32xf32> to vector<256x32xf32>
    %broadcast_in_dim3A = vector.shape_cast %get3A_36 : vector<256x32xf32> to vector<256x32x1xf32>
    %mul3A_37 = vector.broadcast %broadcast_in_dim3A : vector<256x32x1xf32> to vector<256x32x128xf32>
    %mul3A_38 = arith.mulf %reshape3A, %mul3A_37 : vector<256x32x128xf32>
    %reduce_sum3A = arith.constant dense<0.000000e+00> : vector<256x128xf32>
    %reduce_sum3A_39 = vector.multi_reduction <add>, %mul3A_38, %reduce_sum3A [1] : vector<256x32x128xf32> to vector<256x128xf32>
    %get3A_40 = arith.constant 0 : index
    %get3A_41 = arith.constant 0 : index
    %get3A_42 = vector.load %arg9[%get3A_40, %get3A_41] : memref<128x128xf32, #tpu.memory_space<vmem>>, vector<128x128xf32>
    %dot_general3A_43 = arith.constant dense<0.000000e+00> : vector<256x128xf32>
    %dot_general3A_44 = tpu.matmul %reduce_sum3A_39, %get3A_42, %dot_general3A_43 {dimension_numbers = #tpu.dot_dimension_numbers<[1], [0], [0], [1], [0, 0, 1, 1], [], []>, transpose_lhs_hint = false} : vector<256x128xf32>, vector<128x128xf32>, vector<256x128xf32> -> vector<256x128xf32>
    %get3A_45 = arith.constant 0 : index
    %get3A_46 = arith.constant 0 : index
    %get3A_47 = vector.load %arg10[%get3A_45, %get3A_46] : memref<1x128xf32, #tpu.memory_space<vmem>>, vector<1x128xf32>
    %add3A_48 = vector.broadcast %get3A_47 : vector<1x128xf32> to vector<256x128xf32>
    %add3A_49 = arith.addf %dot_general3A_44, %add3A_48 : vector<256x128xf32>
    %max3A_50 = arith.constant 0.000000e+00 : f32
    %max3A_51 = vector.broadcast %max3A_50 : f32 to vector<256x128xf32>
    %max3A_52 = arith.maximumf %add3A_49, %max3A_51 : vector<256x128xf32>
    %abs3A_53 = math.absf %add3A_49 : vector<256x128xf32>
    %neg3A_54 = arith.constant 0.000000e+00 : f32
    %neg3A_55 = vector.broadcast %neg3A_54 : f32 to vector<256x128xf32>
    %neg3A_56 = arith.subf %neg3A_55, %abs3A_53 : vector<256x128xf32>
    %exp3A_57 = math.exp %neg3A_56 : vector<256x128xf32>
    %log1p3A_58 = math.log1p %exp3A_57 : vector<256x128xf32>
    %add3A_59 = arith.addf %max3A_52, %log1p3A_58 : vector<256x128xf32>
    %sub3A_60 = arith.constant 0.693147182 : f32
    %sub3A_61 = vector.broadcast %sub3A_60 : f32 to vector<256x128xf32>
    %sub3A_62 = arith.subf %add3A_59, %sub3A_61 : vector<256x128xf32>
    %swap3A = arith.constant 0 : index
    %swap3A_63 = arith.constant 0 : index
    %swap3A_64 = arith.constant 0 : index
    %swap3A_65 = vector.load %arg11[%swap3A, %swap3A_63, %swap3A_64] : memref<1x256x128xf32, #tpu.memory_space<vmem>>, vector<1x256x128xf32>
    %swap3A_66 = vector.shape_cast %swap3A_65 : vector<1x256x128xf32> to vector<256x128xf32>
    %swap3A_67 = vector.shape_cast %sub3A_62 : vector<256x128xf32> to vector<1x256x128xf32>
    tpu.vector_store %arg11[%swap3A, %swap3A_63, %swap3A_64], %swap3A_67 {strides = array<i32>} : memref<1x256x128xf32, #tpu.memory_space<vmem>>, vector<1x256x128xf32>,
    return
  }
  func.func @transform_0(%arg0: i32, %arg1: i32) -> (i32, i32, i32) {
    %c0_i32 = arith.constant 0 : i32
    %c0_i32_0 = arith.constant 0 : i32
    return %arg0, %arg1, %c0_i32 : i32, i32, i32
  }
  func.func @transform_1(%arg0: i32, %arg1: i32) -> (i32, i32) {
    %mul3A = arith.constant 4 : i32
    %mul3A_0 = arith.muli %arg0, %mul3A : i32
    %add3A = arith.addi %mul3A_0, %arg1 : i32
    %c0_i32 = arith.constant 0 : i32
    %c0_i32_1 = arith.constant 0 : i32
    return %add3A, %c0_i32 : i32, i32
  }
  func.func @transform_2(%arg0: i32, %arg1: i32) -> (i32, i32, i32) {
    %c0_i32 = arith.constant 0 : i32
    %c0_i32_0 = arith.constant 0 : i32
    return %arg0, %arg1, %c0_i32 : i32, i32, i32
  }
  func.func @transform_3(%arg0: i32, %arg1: i32) -> (i32, i32) {
    %c0_i32 = arith.constant 0 : i32
    %c0_i32_0 = arith.constant 0 : i32
    %c0_i32_1 = arith.constant 0 : i32
    return %c0_i32, %c0_i32_0 : i32, i32
  }
  func.func @transform_4(%arg0: i32, %arg1: i32) -> (i32, i32) {
    %c0_i32 = arith.constant 0 : i32
    %c0_i32_0 = arith.constant 0 : i32
    %c0_i32_1 = arith.constant 0 : i32
    return %c0_i32, %c0_i32_0 : i32, i32
  }
  func.func @transform_5(%arg0: i32, %arg1: i32) -> (i32, i32) {
    %c0_i32 = arith.constant 0 : i32
    %c0_i32_0 = arith.constant 0 : i32
    %c0_i32_1 = arith.constant 0 : i32
    return %c0_i32, %c0_i32_0 : i32, i32
  }
  func.func @transform_6(%arg0: i32, %arg1: i32) -> (i32, i32) {
    %c0_i32 = arith.constant 0 : i32
    %c0_i32_0 = arith.constant 0 : i32
    %c0_i32_1 = arith.constant 0 : i32
    return %c0_i32, %c0_i32_0 : i32, i32
  }
  func.func @transform_7(%arg0: i32, %arg1: i32) -> (i32, i32) {
    %c0_i32 = arith.constant 0 : i32
    %c0_i32_0 = arith.constant 0 : i32
    %c0_i32_1 = arith.constant 0 : i32
    return %c0_i32, %c0_i32_0 : i32, i32
  }
  func.func @transform_8(%arg0: i32, %arg1: i32) -> (i32, i32) {
    %c0_i32 = arith.constant 0 : i32
    %c0_i32_0 = arith.constant 0 : i32
    %c0_i32_1 = arith.constant 0 : i32
    return %c0_i32, %c0_i32_0 : i32, i32
  }
  func.func @transform_9(%arg0: i32, %arg1: i32) -> (i32, i32, i32) {
    %c0_i32 = arith.constant 0 : i32
    %c0_i32_0 = arith.constant 0 : i32
    return %arg0, %arg1, %c0_i32 : i32, i32, i32
  }
}

</mosaic_0001>

<sc_bundles>
// kernel: kernel.5.cloned.1.call-start
scs
__scs_entry_jumppad:
0x0: {  	(pc) =	sbr.rel $0x88, $3  }
0x1: {  	(tag) =	ssettag $0x0;
	lr =	simm.s32 $0x1  }
0x2: {  	[smem:$0x3F95] =	sst lr;
	_ =	strace $0xD0000000  }
0x3: {  	_ = 	snop  }
0x4: {  	_ = 	snop  }
0x5: {  	_ = 	snop  }
0x6: {  	_ = 	snop  }
0x7: {  	_ = 	snop  }
__scs_overlays_trampoline_lowered:
0x8: {  	[smem:$0x3FA4] =	sst s0  }
0x9: {  	[smem:$0x3FA5] =	sst s1  }
0xa: {  	[smem:$0x3FA6] =	sst s2  }
0xb: {  	[smem:$0x3FA7] =	sst s3  }
0xc: {  	[smem:$0x3FA8] =	sst s4  }
0xd: {  	[smem:$0x3FA9] =	sst s5  }
0xe: {  	[smem:$0x3FAA] =	sst s6  }
0xf: {  	[smem:$0x3FAB] =	sst s7  }
0x10: {  	[smem:$0x3FAC] =	sst s8  }
0x11: {  	[smem:$0x3FAD] =	sst s9;
	s0 =	simm.s32 @!p0 $0x0  }
0x12: {  	s1 =	sld [smem:$0x3F93];
	s0 =	simm.s32 @p0 $0x1  }
0x13: {  	[smem:$0x3FAE] =	sst s0;
	s0 =	simm.s32 @!p1 $0x0  }
0x14: {  	s2 =	sld [smem:$0x3F92];
	s0 =	simm.s32 @p1 $0x1  }
0x15: {  	[smem:$0x3FAF] =	sst s0;
	s0 =	simm.s32 @!p2 $0x0  }
0x16: {  	s3 =	sld [smem:$0x3FDB];
	s0 =	simm.s32 @p2 $0x1  }
0x17: {  	s4 =	simm.s32 $0x1BF5;
	[smem:$0x3FB1] =	sst s0  }
0x18: {  	s0 =	sld [smem:$0x3F94];
	_ =	swait.ge [sflag:s4], $0x0  }
0x19: {  	s7 =	sld [smem:$0x3F95]  }
0x1a: {  	s8 =	sadd.s32 $0xFFFFE003, lr  }
0x1b: {  	s9 =	sadd.s32 $0xFFFFFEF7, lr;
	s5 =	simm.s32 $0xFFFFFFFF;
	p2 =	slt.u32 s8, $0xFFFFF086  }
0x1c: {  	p1 =	slt.u32 s9, $0xF7A;
	s5 =	simm.s32 @!p2 $0x0  }
0x1d: {  	s5 =	simm.s32 @p1 $0x1;
	p0 =	seq.s32 s7, s2  }
0x1e: {  	s7 =	smul.u32 @!p0 $0xF7A, s2;
	p2 =	seq.s32 @!p0 s5, $0x0  }
0x1f: {  	s9 =	smul.u32 $0xF7A, s1;
	s8 =	simm.s32 @!p0 $0x1BF5;
	p2 =	por !p2, p0  }
0x20: {  	[sflag:s8] =	ssyncset.s32 @!p0 $0xFFFFF086;
	s6 =	sadd.s32 @!p0 s3, s7;
	s7 =	simm.s32 @!p0 $0x108  }
0x21: {  	s3 =	sadd.s32 s3, s9;
	s6 =	sadd.s32 @!p0 $0x88, s6;
	s7 =	simm.s32 @p2 $0x1082  }
0x22: {  	[simem:s7], [sflag:s8] =	dma.local @!p0 [hbm:s6], $0xF7A  }
0x23: {  	s9 =	sor.u32 $0xD0000000, s2;
	s6 =	simm.s32 $0x108;
	_ =	swait.ge @!p0 [sflag:s8], $0x0  }
0x24: {  	s3 =	sadd.s32 $0x88, s3;
	s6 =	simm.s32 @!p1 $0x1082;
	[sflag:s4] =	ssyncset.s32 $0xFFFFF086  }
0x25: {  	[simem:s6], [sflag:s4] =	dma.local [hbm:s3], $0xF7A  }
0x26: {  	[smem:$0x3F95] =	sst s1;
	(tag) =	ssettag s2;
	_ =	strace s9  }
0x27: {  	s1 =	sld [smem:$0x3FA5]  }
0x28: {  	s2 =	sld [smem:$0x3FA6]  }
0x29: {  	s4 =	sld [smem:$0x3FA8]  }
0x2a: {  	p0 =	seq.s32 s5, $0x0;
	s5 =	sld [smem:$0x3FA9]  }
0x2b: {  	s6 =	sld [smem:$0x3FAA]  }
0x2c: {  	s7 =	sld [smem:$0x3FAB]  }
0x2d: {  	s3 =	simm.s32 $0x108;
	s8 =	sld [smem:$0x3FAC]  }
0x2e: {  	s3 =	simm.s32 @!p0 $0x1082;
	s9 =	sld [smem:$0x3FAD]  }
0x2f: {  	lr =	sadd.s32 s0, s3;
	s0 =	sld [smem:$0x3FA4]  }
0x30: {  	s3 =	sld [smem:$0x3FA7]  }
0x31: {  	[smem:$0x3FB0] =	sst s10  }
0x32: {  	s10 =	sld [smem:$0x3FAE];
	_ =	sdelay $0x3  }
0x33: {  	p0 =	seq.s32 s10, $0x1;
	s10 =	sld [smem:$0x3FB0];
	_ =	sdelay $0x3  }
0x34: {  	[smem:$0x3FB0] =	sst s10  }
0x35: {  	s10 =	sld [smem:$0x3FAF];
	_ =	sdelay $0x3  }
0x36: {  	p1 =	seq.s32 s10, $0x1;
	s10 =	sld [smem:$0x3FB0];
	_ =	sdelay $0x3  }
0x37: {  	[smem:$0x3FB0] =	sst s10  }
0x38: {  	s10 =	sld [smem:$0x3FB1]  }
0x39: {  	_ = 	snop;
	(pc) =	sbr.ind lr, $3  }
0x3a: {  	_ = 	snop  }
0x3b: {  	_ = 	snop  }
0x3c: {  	p2 =	seq.s32 s10, $0x1;
	s10 =	sld [smem:$0x3FB0]  }
0x3d: {  	_ =	shalt  }
0x3e: {  	_ =	shalt  }
0x3f: {  	_ =	shalt  }
0x40: {  	_ =	shalt  }
0x41: {  	_ =	shalt  }
0x42: {  	_ =	shalt  }
0x43: {  	_ =	shalt  }
0x44: {  	_ =	shalt  }
0x45: {  	_ =	shalt  }
0x46: {  	_ =	shalt  }
0x47: {  	_ =	shalt  }
0x48: {  	_ =	shalt  }
0x49: {  	_ =	shalt  }
0x4a: {  	_ =	shalt  }
0x4b: {  	_ =	shalt  }
0x4c: {  	_ =	shalt  }
0x4d: {  	_ =	shalt  }
0x4e: {  	_ =	shalt  }
0x4f: {  	_ =	shalt  }
0x50: {  	_ =	shalt  }
0x51: {  	_ =	shalt  }
0x52: {  	_ =	shalt  }
0x53: {  	_ =	shalt  }
0x54: {  	_ =	shalt  }
0x55: {  	_ =	shalt  }
0x56: {  	_ =	shalt  }
0x57: {  	_ =	shalt  }
0x58: {  	_ =	shalt  }
0x59: {  	_ =	shalt  }
0x5a: {  	_ =	shalt  }
0x5b: {  	_ =	shalt  }
0x5c: {  	_ =	shalt  }
0x5d: {  	_ =	shalt  }
0x5e: {  	_ =	shalt  }
0x5f: {  	_ =	shalt  }
0x60: {  	_ =	shalt  }
0x61: {  	_ =	shalt  }
0x62: {  	_ =	shalt  }
0x63: {  	_ =	shalt  }
0x64: {  	_ =	shalt  }
0x65: {  	_ =	shalt  }
0x66: {  	_ =	shalt  }
0x67: {  	_ =	shalt  }
0x68: {  	_ =	shalt  }
0x69: {  	_ =	shalt  }
0x6a: {  	_ =	shalt  }
0x6b: {  	_ =	shalt  }
0x6c: {  	_ =	shalt  }
0x6d: {  	_ =	shalt  }
0x6e: {  	_ =	shalt  }
0x6f: {  	_ =	shalt  }
0x70: {  	_ =	shalt  }
0x71: {  	_ =	shalt  }
0x72: {  	_ =	shalt  }
0x73: {  	_ =	shalt  }
0x74: {  	_ =	shalt  }
0x75: {  	_ =	shalt  }
0x76: {  	_ =	shalt  }
0x77: {  	_ =	shalt  }
0x78: {  	_ =	shalt  }
0x79: {  	_ =	shalt  }
0x7a: {  	_ =	shalt  }
0x7b: {  	_ =	shalt  }
0x7c: {  	_ =	shalt  }
0x7d: {  	_ =	shalt  }
0x7e: {  	_ =	shalt  }
0x7f: {  	_ =	shalt  }
0x80: {  	_ =	shalt  }
0x81: {  	_ =	shalt  }
0x82: {  	_ =	shalt  }
0x83: {  	_ =	shalt  }
0x84: {  	_ =	shalt  }
0x85: {  	_ =	shalt  }
0x86: {  	_ =	shalt  }
0x87: {  	_ =	shalt  }
.Lfunc_end0:
.L_simem_size_0:
called_computation_lowered:
.L_overlay_start_0:
0x88: {  	s2 =	sld [smem:$0x3FD9]  }
0x89: {  	s3 =	sld [smem:$0x3FFE];
	_ =	sdelay $0x1  }
0x8a: {  	s1 =	srdreg.scid  }
0x8b: {  	s0 =	sand.u32 $0x1, s1  }
0x8c: {  	s17 =	sshll.u32 s0, $0xA;
	s2 =	sadd.s32 s3, s2  }
0x8d: {  	s2 =	sadd.s32 s2, s17  }
0x8e: {  	[smem:$0x3FBC] =	sst s2  }
0x8f: {  	_ = 	snop  }
0x90: {  	s2 =	sld [smem:$0x3FD0];
	(tm) =	ssettm $0x1  }
0x91: {  	s18 =	sld [smem:$0x3FFB];
	_ =	sdelay $0x3  }
0x92: {  	_ =	strace s18  }
0x93: {  	s3 =	sld [smem:$0x3FFC];
	_ =	sdelay $0x3  }
0x94: {  	_ =	strace s3  }
0x95: {  	s3 =	sld [smem:$0x3FFD];
	_ =	sdelay $0x3  }
0x96: {  	_ =	strace s3  }
0x97: {  	_ =	strace $0x8FFFFFFF  }
0x98: {  	s19 =	sld [smem:$0x3FDB];
	_ =	sdelay $0x1  }
0x99: {  	s4 =	simm.s32 $_scs_section_size  }
0x9a: {  	s5 =	simm.s32 $_size__tile_overlayer_lowered;
	s6 =	simm.s32 $_tile_overlayer_lowered  }
0x9b: {  	s22 =	simm.s32 $0x1BFF;
	s21 =	sshll.u32 s6, $0x1;
	s3 =	sadd.s32 s4, s19  }
0x9c: {  	s7 =	simm.s32 $0x0;
	s20 =	sshll.u32 s5, $0x1;
	s5 =	sadd.s32 s21, s3  }
0x9d: {  	[timem:s7], [sflag:s22] =	dma.local [hbm:s5], s20  }
0x9e: {  	_ =	swait.ge [sflag:s22], s20  }
0x9f: {  	s4 =	ssub.s32 $0x0, s20;
	[sflag:s22] =	ssyncset.done $0x0  }
0xa0: {  	[sflag:s22] =	ssyncadd.s32 s4;
	_ =	sdelay $0x1  }
0xa1: {  	s23 =	simm.s32 $0x1B8B  }
0xa2: {  	_ =	swait.ge [sflag:s23], $0x1  }
0xa3: {  	[sflag:s23] =	ssyncset.done $0x0  }
0xa4: {  	s25 =	simm.s32 $0x1B8E;
	s24 =	sld [smem:$0x3FFE];
	[sflag:s23] =	ssyncadd.s32 $0xFFFFFFFF  }
0xa5: {  	s26 =	simm.s32 $execute0_lowered;
	[smem:$0x3FD2] =	sst s25  }
0xa6: {  	s5 =	sshll.u32 s26, $0x1;
	_ =	strace $0x80000046;
	[dreg:$0x1] =	wrdreg $0xFFFFFFFF  }
0xa7: {  	s28 =	simm.s32 $_size_execute0_lowered;
	s3 =	sadd.s32 s3, s5;
	[dreg:$0x0] =	wrdreg $0x0  }
0xa8: {  	s5 =	sshll.u32 s28, $0x1;
	[dreg:$0x2] =	wrdreg s3  }
0xa9: {  	[dreg:$0x3] =	wrdreg s5  }
0xaa: {  	[dreg:$0x4] =	wrdreg $0xC0  }
0xab: {  	_ =	task [dreg:s7], $0x5FFFF  }
0xac: {  	[dreg:$0x1] =	wrdreg $0xFFFFFFFF  }
0xad: {  	[dreg:$0x0] =	wrdreg $0x60  }
0xae: {  	[dreg:$0x2] =	wrdreg s2  }
0xaf: {  	[dreg:$0x3] =	wrdreg s24  }
0xb0: {  	[dreg:$0x4] =	wrdreg $0x9  }
0xb1: {  	_ =	task.clear_ibuf [dreg:s7], $0x5FFFF;
	_ =	strace $0x90000046  }
0xb2: {  	s29 =	simm.s32 $0x9;
	_ =	strace $0x80000048  }
0xb3: {  	_ =	swait.ge [sflag:s29], $0x1  }
0xb4: {  	[sflag:s29] =	ssyncadd.s32 $0xFFFFFFFF  }
0xb5: {  	_ =	strace $0x90000048  }
0xb6: {  	_ =	sfence  }
0xb7: {  	s30 =	sld [smem:$0x0];
	_ =	sdelay $0x2  }
0xb8: {  	s31 =	sshll.u32 s1, $0xD;
	s1 =	sshrl.u32 s1, $0x2  }
0xb9: {  	s3 =	sand.u32 $0x4000, s31;
	s1 =	sadd.s32 s1, s30  }
0xba: {  	s0 =	sor.u32 s3, s0;
	s1 =	sshll.u32 s1, $0x11  }
0xbb: {  	s0 =	sor.u32 s1, s0  }
0xbc: {  	s0 =	sadd.s32 $0x8F2B, s0  }
0xbd: {  	[sflag:s0] =	ssyncadd.remote.s32 $0x1  }
0xbe: {  	_ =	sfence.sel $0xFFFF  }
0xbf: {  	[dreg:$0x0] =	wrdreg $0xFFFFFFFF;
	(pc) =	sbr.abs _section_cstart, $3  }
0xc0: {  	[dreg:$0x1] =	wrdreg $0xFFFFFFFF  }
0xc1: {  	_ =	task.clear_ibuf [dreg:s7], $0x2FFFF;
	_ =	strace $0x9FFFFFFF  }
0xc2: {  	(tm) =	ssettm $0x7FFFFFFF  }
0xc3: {  	_ =	shalt  }
tec
execute0_lowered:
.L_overlay_start_1:
0x0: {  	(tag) =	ssettag $0x1  }
0x1: {  	s2 =	rddreg [dreg:$0x0]  }
0x2: {  	s5 =	rddreg [dreg:$0x1];
	s3 =	srdreg.scid  }
0x3: {  	s0 =	rddreg [dreg:$0x2];
	s1 =	stileid.u32  }
0x4: {  	s9 =	simm.s32 $0x2000;
	s10 =	simm.s32 $0x3;
	s11 =	simm.s32 $0x80  }
0x5: {  	s12 =	simm.s32 $0x4000;
	s13 =	simm.s32 $0xC000;
	s14 =	simm.s32 $0x8000  }
0x6: {  	s15 =	simm.s32 $0x10000;
	s16 =	simm.s32 $0x1;
	s17 =	simm.s32 $0x4  }
0x7: {  	s18 =	simm.s32 $0x2;
	s19 =	simm.s32 $0x0;
	s6 =	sand.u32 $0x1, s3  }
0x8: {  	s3 =	simm.s32 $0x0;
	s4 =	sshll.u32 s1, $0x7;
	s7 =	sshll.u32 s6, $0x6  }
0x9: {  	[smem:$0x7FF] =	sst s3;
	s6 =	ssub.s32 $0x2, s6;
	s4 =	sor.u32 s7, s4  }
0xa: {  	_ =	strace $0x80000047;
	s8 =	sshrl.u32 s6, $0x1;
	s7 =	sshll.u32 s4, $0x4  }
0xb: {  	s8 =	ssub.s32 s6, s8;
	s7 =	sadd.s32 s7, s5;
	s5 =	sadd.s32 $0x11A00, s5  }
0xc: {  	s8 =	smax.u32 s8, $0x1;
	s6 =	sadd.s32 $0x9A00, s7;
	s7 =	sadd.s32 $0x1A00, s7  }
.LBB2_1:
0xd: {  	[tilespmem:s3], [sflag:$0x3] =	stream.linear.gather [hbm4b:s6+s3], $0x2000, $0x38;
	[tilespmem:$0x14000] =	vst v63  }
0xe: {  	_ = 	snop  }
0xf: {  	[tilespmem:s9], [sflag:$0x3] =	stream.linear.gather [hbm4b:s7+s3], $0x2000, $0x38;
	[tilespmem:$0x14000] =	vst v63  }
0x10: {  	_ =	swait.ge [sflag:s10], $0x2000  }
0x11: {  	[sflag:s10] =	ssyncset.done $0x0  }
0x12: {  	[sflag:s10] =	ssyncadd.s32 $0xFFFFE000  }
0x13: {  	_ =	swait.ge [sflag:s10], $0x2000  }
0x14: {  	[sflag:s10] =	ssyncset.done $0x0  }
0x15: {  	[sflag:s10] =	ssyncadd.s32 $0xFFFFE000  }
0x16: {  	[tilespmem:s12], [sflag:$0x1] =	stream.indirect.gather [hbm4b:s2+s11], $0x80, s3, s11, $0xb8;
	[tilespmem:$0x14000] =	vst v63  }
0x17: {  	s20 =	simm.s32 $0x0  }
0x18: {  	[tilespmem:s13], [sflag:$0x1] =	stream.indirect.gather [hbm4b:s2+s11], $0x80, s9, s11, $0xb8;
	[tilespmem:$0x14000] =	vst v63  }
.LBB2_2:
0x19: {  	s21 =	sshllo.u32 s20, $0x1  }
0x1a: {  	s22 =	sshll.u32 s21, $0x7  }
0x1b: {  	[tilespmem:s14], [sflag:$0x2] =	stream.indirect.gather [hbm4b:s2+s11], $0x80, s22, s11, $0xb8;
	[tilespmem:$0x14000] =	vst v63  }
0x1c: {  	s22 =	sadd.s32 $0x2000, s22  }
0x1d: {  	[tilespmem:s15], [sflag:$0x2] =	stream.indirect.gather [hbm4b:s2+s11], $0x80, s22, s11, $0xb8;
	[tilespmem:$0x14000] =	vst v63  }
0x1e: {  	_ =	swait.ge [sflag:s16], $0x4000  }
0x1f: {  	[sflag:s16] =	ssyncset.done $0x0  }
0x20: {  	[sflag:s16] =	ssyncadd.s32 $0xFFFFC000  }
0x21: {  	_ =	swait.ge [sflag:s16], $0x4000  }
0x22: {  	[sflag:s16] =	ssyncset.done $0x0  }
0x23: {  	s22 =	simm.s32 $0x4080;
	[sflag:s16] =	ssyncadd.s32 $0xFFFFC000  }
0x24: {  	s23 =	simm.s32 $0xC080;
	v0 =	vld [tilespmem:s22+$0xFFFFFF80]  }
0x25: {  	v1 =	vld [tilespmem:s23+$0xFFFFFF80];
	_ =	sdelay $0x4  }
0x26: {  	v0 =	vmul.f32 v1, v0;
	_ =	sdelay $0x1  }
0x27: {  	[tilespmem:s22+$0xFFFFFF80] =	vst v0;
	v0 =	vld [tilespmem:s22+$0xFFFFFF90]  }
0x28: {  	v1 =	vld [tilespmem:s23+$0xFFFFFF90];
	_ =	sdelay $0x4  }
0x29: {  	v0 =	vmul.f32 v1, v0;
	_ =	sdelay $0x1  }
0x2a: {  	[tilespmem:s22+$0xFFFFFF90] =	vst v0;
	v0 =	vld [tilespmem:s22+$0xFFFFFFA0]  }
0x2b: {  	v1 =	vld [tilespmem:s23+$0xFFFFFFA0];
	_ =	sdelay $0x4  }
0x2c: {  	v0 =	vmul.f32 v1, v0;
	_ =	sdelay $0x1  }
0x2d: {  	[tilespmem:s22+$0xFFFFFFA0] =	vst v0;
	v0 =	vld [tilespmem:s22+$0xFFFFFFB0]  }
0x2e: {  	v1 =	vld [tilespmem:s23+$0xFFFFFFB0];
	_ =	sdelay $0x4  }
0x2f: {  	v0 =	vmul.f32 v1, v0;
	_ =	sdelay $0x1  }
0x30: {  	[tilespmem:s22+$0xFFFFFFB0] =	vst v0;
	v0 =	vld [tilespmem:s22+$0xFFFFFFC0]  }
0x31: {  	v1 =	vld [tilespmem:s23+$0xFFFFFFC0];
	_ =	sdelay $0x4  }
0x32: {  	v0 =	vmul.f32 v1, v0;
	_ =	sdelay $0x1  }
0x33: {  	[tilespmem:s22+$0xFFFFFFC0] =	vst v0;
	v0 =	vld [tilespmem:s22+$0xFFFFFFD0]  }
0x34: {  	v1 =	vld [tilespmem:s23+$0xFFFFFFD0];
	_ =	sdelay $0x4  }
0x35: {  	v0 =	vmul.f32 v1, v0;
	_ =	sdelay $0x1  }
0x36: {  	[tilespmem:s22+$0xFFFFFFD0] =	vst v0;
	v0 =	vld [tilespmem:s22+$0xFFFFFFE0]  }
0x37: {  	v1 =	vld [tilespmem:s23+$0xFFFFFFE0];
	_ =	sdelay $0x4  }
0x38: {  	v0 =	vmul.f32 v1, v0;
	_ =	sdelay $0x1  }
0x39: {  	[tilespmem:s22+$0xFFFFFFE0] =	vst v0;
	v0 =	vld [tilespmem:s22+$0xFFFFFFF0]  }
0x3a: {  	v1 =	vld [tilespmem:s23+$0xFFFFFFF0];
	_ =	sdelay $0x4  }
0x3b: {  	v0 =	vmul.f32 v1, v0;
	_ =	sdelay $0x1  }
0x3c: {  	[tilespmem:s22+$0xFFFFFFF0] =	vst v0;
	v0 =	vld [tilespmem:s22+$0x0]  }
0x3d: {  	v1 =	vld [tilespmem:s23+$0x0];
	_ =	sdelay $0x4  }
0x3e: {  	v0 =	vmul.f32 v1, v0;
	_ =	sdelay $0x1  }
0x3f: {  	[tilespmem:s22+$0x0] =	vst v0;
	v0 =	vld [tilespmem:s22+$0x10]  }
0x40: {  	v1 =	vld [tilespmem:s23+$0x10];
	_ =	sdelay $0x4  }
0x41: {  	v0 =	vmul.f32 v1, v0;
	_ =	sdelay $0x1  }
0x42: {  	[tilespmem:s22+$0x10] =	vst v0;
	v0 =	vld [tilespmem:s22+$0x20]  }
0x43: {  	v1 =	vld [tilespmem:s23+$0x20];
	_ =	sdelay $0x4  }
0x44: {  	v0 =	vmul.f32 v1, v0;
	_ =	sdelay $0x1  }
0x45: {  	[tilespmem:s22+$0x20] =	vst v0;
	v0 =	vld [tilespmem:s22+$0x30]  }
0x46: {  	v1 =	vld [tilespmem:s23+$0x30];
	_ =	sdelay $0x4  }
0x47: {  	v0 =	vmul.f32 v1, v0;
	_ =	sdelay $0x1  }
0x48: {  	[tilespmem:s22+$0x30] =	vst v0;
	v0 =	vld [tilespmem:s22+$0x40]  }
0x49: {  	v1 =	vld [tilespmem:s23+$0x40];
	_ =	sdelay $0x4  }
0x4a: {  	v0 =	vmul.f32 v1, v0;
	_ =	sdelay $0x1  }
0x4b: {  	[tilespmem:s22+$0x40] =	vst v0;
	v0 =	vld [tilespmem:s22+$0x50]  }
0x4c: {  	v1 =	vld [tilespmem:s23+$0x50];
	_ =	sdelay $0x4  }
0x4d: {  	v0 =	vmul.f32 v1, v0;
	_ =	sdelay $0x1  }
0x4e: {  	[tilespmem:s22+$0x50] =	vst v0;
	v0 =	vld [tilespmem:s22+$0x60]  }
0x4f: {  	v1 =	vld [tilespmem:s23+$0x60];
	_ =	sdelay $0x4  }
0x50: {  	v0 =	vmul.f32 v1, v0;
	_ =	sdelay $0x1  }
0x51: {  	[tilespmem:s22+$0x60] =	vst v0;
	v0 =	vld [tilespmem:s22+$0x70]  }
0x52: {  	v1 =	vld [tilespmem:s23+$0x70];
	_ =	sdelay $0x4  }
0x53: {  	v0 =	vmul.f32 v1, v0  }
0x54: {  	s24 =	sshll.u32 s20, $0x1;
	s25 =	simm.s32 $0x0;
	s26 =	simm.s32 $0x4180  }
.LBB2_3:
0x55: {  	v1 =	vld [tilespmem:s26+$0xFFFFFF80];
	[tilespmem:s22+$0x70] =	vst v0;
	s23 =	sadd.s32 $0x100, s23;
	s22 =	smov.u32 s26  }
0x56: {  	s25 =	sadd.s32 $0x2, s25;
	v0 =	vld [tilespmem:s23+$0xFFFFFF80]  }
0x57: {  	p0 =	slt.u32 s25, $0x7E;
	_ =	sdelay $0x3  }
0x58: {  	v0 =	vmul.f32 v0, v1;
	_ =	sdelay $0x1  }
0x59: {  	[tilespmem:s26+$0xFFFFFF80] =	vst v0;
	v0 =	vld [tilespmem:s26+$0xFFFFFF90]  }
0x5a: {  	v1 =	vld [tilespmem:s23+$0xFFFFFF90];
	_ =	sdelay $0x4  }
0x5b: {  	v0 =	vmul.f32 v1, v0;
	_ =	sdelay $0x1  }
0x5c: {  	[tilespmem:s26+$0xFFFFFF90] =	vst v0;
	v0 =	vld [tilespmem:s26+$0xFFFFFFA0]  }
0x5d: {  	v1 =	vld [tilespmem:s23+$0xFFFFFFA0];
	_ =	sdelay $0x4  }
0x5e: {  	v0 =	vmul.f32 v1, v0;
	_ =	sdelay $0x1  }
0x5f: {  	[tilespmem:s26+$0xFFFFFFA0] =	vst v0;
	v0 =	vld [tilespmem:s26+$0xFFFFFFB0]  }
0x60: {  	v1 =	vld [tilespmem:s23+$0xFFFFFFB0];
	_ =	sdelay $0x4  }
0x61: {  	v0 =	vmul.f32 v1, v0;
	_ =	sdelay $0x1  }
0x62: {  	[tilespmem:s26+$0xFFFFFFB0] =	vst v0;
	v0 =	vld [tilespmem:s26+$0xFFFFFFC0]  }
0x63: {  	v1 =	vld [tilespmem:s23+$0xFFFFFFC0];
	_ =	sdelay $0x4  }
0x64: {  	v0 =	vmul.f32 v1, v0;
	_ =	sdelay $0x1  }
0x65: {  	[tilespmem:s26+$0xFFFFFFC0] =	vst v0;
	v0 =	vld [tilespmem:s26+$0xFFFFFFD0]  }
0x66: {  	v1 =	vld [tilespmem:s23+$0xFFFFFFD0];
	_ =	sdelay $0x4  }
0x67: {  	v0 =	vmul.f32 v1, v0;
	_ =	sdelay $0x1  }
0x68: {  	[tilespmem:s26+$0xFFFFFFD0] =	vst v0;
	v0 =	vld [tilespmem:s26+$0xFFFFFFE0]  }
0x69: {  	v1 =	vld [tilespmem:s23+$0xFFFFFFE0];
	_ =	sdelay $0x4  }
0x6a: {  	v0 =	vmul.f32 v1, v0;
	_ =	sdelay $0x1  }
0x6b: {  	[tilespmem:s26+$0xFFFFFFE0] =	vst v0;
	v0 =	vld [tilespmem:s26+$0xFFFFFFF0]  }
0x6c: {  	v1 =	vld [tilespmem:s23+$0xFFFFFFF0];
	_ =	sdelay $0x4  }
0x6d: {  	v0 =	vmul.f32 v1, v0;
	_ =	sdelay $0x1  }
0x6e: {  	[tilespmem:s26+$0xFFFFFFF0] =	vst v0;
	v0 =	vld [tilespmem:s26+$0x0]  }
0x6f: {  	v1 =	vld [tilespmem:s23+$0x0];
	_ =	sdelay $0x4  }
0x70: {  	v0 =	vmul.f32 v1, v0;
	_ =	sdelay $0x1  }
0x71: {  	[tilespmem:s26+$0x0] =	vst v0;
	v0 =	vld [tilespmem:s26+$0x10]  }
0x72: {  	v1 =	vld [tilespmem:s23+$0x10];
	_ =	sdelay $0x4  }
0x73: {  	v0 =	vmul.f32 v1, v0;
	_ =	sdelay $0x1  }
0x74: {  	[tilespmem:s26+$0x10] =	vst v0;
	v0 =	vld [tilespmem:s26+$0x20]  }
0x75: {  	v1 =	vld [tilespmem:s23+$0x20];
	_ =	sdelay $0x4  }
0x76: {  	v0 =	vmul.f32 v1, v0;
	_ =	sdelay $0x1  }
0x77: {  	[tilespmem:s26+$0x20] =	vst v0;
	v0 =	vld [tilespmem:s26+$0x30]  }
0x78: {  	v1 =	vld [tilespmem:s23+$0x30];
	_ =	sdelay $0x4  }
0x79: {  	v0 =	vmul.f32 v1, v0;
	_ =	sdelay $0x1  }
0x7a: {  	[tilespmem:s26+$0x30] =	vst v0;
	v0 =	vld [tilespmem:s26+$0x40]  }
0x7b: {  	v1 =	vld [tilespmem:s23+$0x40];
	_ =	sdelay $0x4  }
0x7c: {  	v0 =	vmul.f32 v1, v0;
	_ =	sdelay $0x1  }
0x7d: {  	[tilespmem:s26+$0x40] =	vst v0;
	v0 =	vld [tilespmem:s26+$0x50]  }
0x7e: {  	v1 =	vld [tilespmem:s23+$0x50];
	_ =	sdelay $0x4  }
0x7f: {  	v0 =	vmul.f32 v1, v0;
	_ =	sdelay $0x1  }
0x80: {  	[tilespmem:s26+$0x50] =	vst v0;
	v0 =	vld [tilespmem:s26+$0x60]  }
0x81: {  	v1 =	vld [tilespmem:s23+$0x60];
	_ =	sdelay $0x4  }
0x82: {  	v0 =	vmul.f32 v1, v0;
	_ =	sdelay $0x1  }
0x83: {  	[tilespmem:s26+$0x60] =	vst v0;
	v0 =	vld [tilespmem:s26+$0x70]  }
0x84: {  	v1 =	vld [tilespmem:s23+$0x70];
	_ =	sdelay $0x1  }
.Ltmp0:
0x85: {  	(pc) =	sbr.rel @p0 .LBB2_3-.Ltmp0, $3  }
0x86: {  	_ =	sdelay $0x1  }
0x87: {  	v0 =	vmul.f32 v1, v0  }
0x88: {  	s26 =	sadd.s32 $0x100, s26  }
0x89: {  	s23 =	sadd.s32 s4, s24  }
0x8a: {  	s23 =	sshll.u32 s23, $0xB  }
0x8b: {  	[tilespmem:s22+$0x70] =	vst v0;
	s29 =	sadd.s32 s5, s23  }
0x8c: {  	[hbm4b:s29+s3] =	stream.linear.scatter [tilespmem:s12], [sflag:$0x4], $0x4000, $0x38;
	[tilespmem:$0x14000] =	vst v63  }
0x8d: {  	s30 =	smin.u32 s24, $0x3C;
	_ =	swait.ge [sflag:s17], $0x4000  }
0x8e: {  	s22 =	sshll.u32 s30, $0x7;
	[sflag:s17] =	ssyncset.done $0x0  }
0x8f: {  	s31 =	sadd.s32 $0x100, s22;
	[sflag:s17] =	ssyncadd.s32 $0xFFFFC000  }
0x90: {  	[tilespmem:s12], [sflag:$0x1] =	stream.indirect.gather [hbm4b:s2+s11], $0x80, s31, s11, $0xb8;
	[tilespmem:$0x14000] =	vst v63  }
0x91: {  	s22 =	sadd.s32 $0x2100, s22  }
0x92: {  	[tilespmem:s13], [sflag:$0x1] =	stream.indirect.gather [hbm4b:s2+s11], $0x80, s22, s11, $0xb8;
	[tilespmem:$0x14000] =	vst v63  }
0x93: {  	_ =	swait.ge [sflag:s18], $0x4000  }
0x94: {  	[sflag:s18] =	ssyncset.done $0x0  }
0x95: {  	[sflag:s18] =	ssyncadd.s32 $0xFFFFC000  }
0x96: {  	_ =	swait.ge [sflag:s18], $0x4000  }
0x97: {  	[sflag:s18] =	ssyncset.done $0x0  }
0x98: {  	s22 =	simm.s32 $0x8080;
	[sflag:s18] =	ssyncadd.s32 $0xFFFFC000  }
0x99: {  	s23 =	simm.s32 $0x10080;
	v0 =	vld [tilespmem:s22+$0xFFFFFF80]  }
0x9a: {  	v1 =	vld [tilespmem:s23+$0xFFFFFF80];
	_ =	sdelay $0x4  }
0x9b: {  	v0 =	vmul.f32 v1, v0;
	_ =	sdelay $0x1  }
0x9c: {  	[tilespmem:s22+$0xFFFFFF80] =	vst v0;
	v0 =	vld [tilespmem:s22+$0xFFFFFF90]  }
0x9d: {  	v1 =	vld [tilespmem:s23+$0xFFFFFF90];
	_ =	sdelay $0x4  }
0x9e: {  	v0 =	vmul.f32 v1, v0;
	_ =	sdelay $0x1  }
0x9f: {  	[tilespmem:s22+$0xFFFFFF90] =	vst v0;
	v0 =	vld [tilespmem:s22+$0xFFFFFFA0]  }
0xa0: {  	v1 =	vld [tilespmem:s23+$0xFFFFFFA0];
	_ =	sdelay $0x4  }
0xa1: {  	v0 =	vmul.f32 v1, v0;
	_ =	sdelay $0x1  }
0xa2: {  	[tilespmem:s22+$0xFFFFFFA0] =	vst v0;
	v0 =	vld [tilespmem:s22+$0xFFFFFFB0]  }
0xa3: {  	v1 =	vld [tilespmem:s23+$0xFFFFFFB0];
	_ =	sdelay $0x4  }
0xa4: {  	v0 =	vmul.f32 v1, v0;
	_ =	sdelay $0x1  }
0xa5: {  	[tilespmem:s22+$0xFFFFFFB0] =	vst v0;
	v0 =	vld [tilespmem:s22+$0xFFFFFFC0]  }
0xa6: {  	v1 =	vld [tilespmem:s23+$0xFFFFFFC0];
	_ =	sdelay $0x4  }
0xa7: {  	v0 =	vmul.f32 v1, v0;
	_ =	sdelay $0x1  }
0xa8: {  	[tilespmem:s22+$0xFFFFFFC0] =	vst v0;
	v0 =	vld [tilespmem:s22+$0xFFFFFFD0]  }
0xa9: {  	v1 =	vld [tilespmem:s23+$0xFFFFFFD0];
	_ =	sdelay $0x4  }
0xaa: {  	v0 =	vmul.f32 v1, v0;
	_ =	sdelay $0x1  }
0xab: {  	[tilespmem:s22+$0xFFFFFFD0] =	vst v0;
	v0 =	vld [tilespmem:s22+$0xFFFFFFE0]  }
0xac: {  	v1 =	vld [tilespmem:s23+$0xFFFFFFE0];
	_ =	sdelay $0x4  }
0xad: {  	v0 =	vmul.f32 v1, v0;
	_ =	sdelay $0x1  }
0xae: {  	[tilespmem:s22+$0xFFFFFFE0] =	vst v0;
	v0 =	vld [tilespmem:s22+$0xFFFFFFF0]  }
0xaf: {  	v1 =	vld [tilespmem:s23+$0xFFFFFFF0];
	_ =	sdelay $0x4  }
0xb0: {  	v0 =	vmul.f32 v1, v0;
	_ =	sdelay $0x1  }
0xb1: {  	[tilespmem:s22+$0xFFFFFFF0] =	vst v0;
	v0 =	vld [tilespmem:s22+$0x0]  }
0xb2: {  	v1 =	vld [tilespmem:s23+$0x0];
	_ =	sdelay $0x4  }
0xb3: {  	v0 =	vmul.f32 v1, v0;
	_ =	sdelay $0x1  }
0xb4: {  	[tilespmem:s22+$0x0] =	vst v0;
	v0 =	vld [tilespmem:s22+$0x10]  }
0xb5: {  	v1 =	vld [tilespmem:s23+$0x10];
	_ =	sdelay $0x4  }
0xb6: {  	v0 =	vmul.f32 v1, v0;
	_ =	sdelay $0x1  }
0xb7: {  	[tilespmem:s22+$0x10] =	vst v0;
	v0 =	vld [tilespmem:s22+$0x20]  }
0xb8: {  	v1 =	vld [tilespmem:s23+$0x20];
	_ =	sdelay $0x4  }
0xb9: {  	v0 =	vmul.f32 v1, v0;
	_ =	sdelay $0x1  }
0xba: {  	[tilespmem:s22+$0x20] =	vst v0;
	v0 =	vld [tilespmem:s22+$0x30]  }
0xbb: {  	v1 =	vld [tilespmem:s23+$0x30];
	_ =	sdelay $0x4  }
0xbc: {  	v0 =	vmul.f32 v1, v0;
	_ =	sdelay $0x1  }
0xbd: {  	[tilespmem:s22+$0x30] =	vst v0;
	v0 =	vld [tilespmem:s22+$0x40]  }
0xbe: {  	v1 =	vld [tilespmem:s23+$0x40];
	_ =	sdelay $0x4  }
0xbf: {  	v0 =	vmul.f32 v1, v0;
	_ =	sdelay $0x1  }
0xc0: {  	[tilespmem:s22+$0x40] =	vst v0;
	v0 =	vld [tilespmem:s22+$0x50]  }
0xc1: {  	v1 =	vld [tilespmem:s23+$0x50];
	_ =	sdelay $0x4  }
0xc2: {  	v0 =	vmul.f32 v1, v0;
	_ =	sdelay $0x1  }
0xc3: {  	[tilespmem:s22+$0x50] =	vst v0;
	v0 =	vld [tilespmem:s22+$0x60]  }
0xc4: {  	v1 =	vld [tilespmem:s23+$0x60];
	_ =	sdelay $0x4  }
0xc5: {  	v0 =	vmul.f32 v1, v0;
	_ =	sdelay $0x1  }
0xc6: {  	[tilespmem:s22+$0x60] =	vst v0;
	v0 =	vld [tilespmem:s22+$0x70]  }
0xc7: {  	v1 =	vld [tilespmem:s23+$0x70];
	_ =	sdelay $0x4  }
0xc8: {  	v0 =	vmul.f32 v1, v0  }
0xc9: {  	s24 =	simm.s32 $0x0;
	s25 =	simm.s32 $0x8180  }
.LBB2_5:
0xca: {  	v1 =	vld [tilespmem:s25+$0xFFFFFF80];
	[tilespmem:s22+$0x70] =	vst v0;
	s23 =	sadd.s32 $0x100, s23;
	s22 =	smov.u32 s25  }
0xcb: {  	s24 =	sadd.s32 $0x2, s24;
	v0 =	vld [tilespmem:s23+$0xFFFFFF80]  }
0xcc: {  	p0 =	slt.u32 s24, $0x7E;
	_ =	sdelay $0x3  }
0xcd: {  	v0 =	vmul.f32 v0, v1;
	_ =	sdelay $0x1  }
0xce: {  	[tilespmem:s25+$0xFFFFFF80] =	vst v0;
	v0 =	vld [tilespmem:s25+$0xFFFFFF90]  }
0xcf: {  	v1 =	vld [tilespmem:s23+$0xFFFFFF90];
	_ =	sdelay $0x4  }
0xd0: {  	v0 =	vmul.f32 v1, v0;
	_ =	sdelay $0x1  }
0xd1: {  	[tilespmem:s25+$0xFFFFFF90] =	vst v0;
	v0 =	vld [tilespmem:s25+$0xFFFFFFA0]  }
0xd2: {  	v1 =	vld [tilespmem:s23+$0xFFFFFFA0];
	_ =	sdelay $0x4  }
0xd3: {  	v0 =	vmul.f32 v1, v0;
	_ =	sdelay $0x1  }
0xd4: {  	[tilespmem:s25+$0xFFFFFFA0] =	vst v0;
	v0 =	vld [tilespmem:s25+$0xFFFFFFB0]  }
0xd5: {  	v1 =	vld [tilespmem:s23+$0xFFFFFFB0];
	_ =	sdelay $0x4  }
0xd6: {  	v0 =	vmul.f32 v1, v0;
	_ =	sdelay $0x1  }
0xd7: {  	[tilespmem:s25+$0xFFFFFFB0] =	vst v0;
	v0 =	vld [tilespmem:s25+$0xFFFFFFC0]  }
0xd8: {  	v1 =	vld [tilespmem:s23+$0xFFFFFFC0];
	_ =	sdelay $0x4  }
0xd9: {  	v0 =	vmul.f32 v1, v0;
	_ =	sdelay $0x1  }
0xda: {  	[tilespmem:s25+$0xFFFFFFC0] =	vst v0;
	v0 =	vld [tilespmem:s25+$0xFFFFFFD0]  }
0xdb: {  	v1 =	vld [tilespmem:s23+$0xFFFFFFD0];
	_ =	sdelay $0x4  }
0xdc: {  	v0 =	vmul.f32 v1, v0;
	_ =	sdelay $0x1  }
0xdd: {  	[tilespmem:s25+$0xFFFFFFD0] =	vst v0;
	v0 =	vld [tilespmem:s25+$0xFFFFFFE0]  }
0xde: {  	v1 =	vld [tilespmem:s23+$0xFFFFFFE0];
	_ =	sdelay $0x4  }
0xdf: {  	v0 =	vmul.f32 v1, v0;
	_ =	sdelay $0x1  }
0xe0: {  	[tilespmem:s25+$0xFFFFFFE0] =	vst v0;
	v0 =	vld [tilespmem:s25+$0xFFFFFFF0]  }
0xe1: {  	v1 =	vld [tilespmem:s23+$0xFFFFFFF0];
	_ =	sdelay $0x4  }
0xe2: {  	v0 =	vmul.f32 v1, v0;
	_ =	sdelay $0x1  }
0xe3: {  	[tilespmem:s25+$0xFFFFFFF0] =	vst v0;
	v0 =	vld [tilespmem:s25+$0x0]  }
0xe4: {  	v1 =	vld [tilespmem:s23+$0x0];
	_ =	sdelay $0x4  }
0xe5: {  	v0 =	vmul.f32 v1, v0;
	_ =	sdelay $0x1  }
0xe6: {  	[tilespmem:s25+$0x0] =	vst v0;
	v0 =	vld [tilespmem:s25+$0x10]  }
0xe7: {  	v1 =	vld [tilespmem:s23+$0x10];
	_ =	sdelay $0x4  }
0xe8: {  	v0 =	vmul.f32 v1, v0;
	_ =	sdelay $0x1  }
0xe9: {  	[tilespmem:s25+$0x10] =	vst v0;
	v0 =	vld [tilespmem:s25+$0x20]  }
0xea: {  	v1 =	vld [tilespmem:s23+$0x20];
	_ =	sdelay $0x4  }
0xeb: {  	v0 =	vmul.f32 v1, v0;
	_ =	sdelay $0x1  }
0xec: {  	[tilespmem:s25+$0x20] =	vst v0;
	v0 =	vld [tilespmem:s25+$0x30]  }
0xed: {  	v1 =	vld [tilespmem:s23+$0x30];
	_ =	sdelay $0x4  }
0xee: {  	v0 =	vmul.f32 v1, v0;
	_ =	sdelay $0x1  }
0xef: {  	[tilespmem:s25+$0x30] =	vst v0;
	v0 =	vld [tilespmem:s25+$0x40]  }
0xf0: {  	v1 =	vld [tilespmem:s23+$0x40];
	_ =	sdelay $0x4  }
0xf1: {  	v0 =	vmul.f32 v1, v0;
	_ =	sdelay $0x1  }
0xf2: {  	[tilespmem:s25+$0x40] =	vst v0;
	v0 =	vld [tilespmem:s25+$0x50]  }
0xf3: {  	v1 =	vld [tilespmem:s23+$0x50];
	_ =	sdelay $0x4  }
0xf4: {  	v0 =	vmul.f32 v1, v0;
	_ =	sdelay $0x1  }
0xf5: {  	[tilespmem:s25+$0x50] =	vst v0;
	v0 =	vld [tilespmem:s25+$0x60]  }
0xf6: {  	v1 =	vld [tilespmem:s23+$0x60];
	_ =	sdelay $0x4  }
0xf7: {  	v0 =	vmul.f32 v1, v0;
	_ =	sdelay $0x1  }
0xf8: {  	[tilespmem:s25+$0x60] =	vst v0;
	v0 =	vld [tilespmem:s25+$0x70]  }
0xf9: {  	v1 =	vld [tilespmem:s23+$0x70];
	_ =	sdelay $0x1  }
.Ltmp1:
0xfa: {  	(pc) =	sbr.rel @p0 .LBB2_5-.Ltmp1, $3  }
0xfb: {  	_ =	sdelay $0x1  }
0xfc: {  	v0 =	vmul.f32 v1, v0  }
0xfd: {  	s25 =	sadd.s32 $0x100, s25  }
0xfe: {  	s21 =	sadd.s32 s4, s21;
	s20 =	sadd.s32 $0x1, s20  }
0xff: {  	s21 =	sshll.u32 s21, $0xB;
	p0 =	sne.s32 s20, $0x20  }
.Ltmp2:
0x100: {  	[tilespmem:s22+$0x70] =	vst v0;
	s21 =	sadd.s32 s5, s21;
	(pc) =	sbr.rel @p0 .LBB2_2-.Ltmp2, $4  }
0x101: {  	[hbm4b:s21+s3] =	stream.linear.scatter [tilespmem:s14], [sflag:$0x4], $0x4000, $0x38;
	[tilespmem:$0x14000] =	vst v63  }
0x102: {  	_ =	swait.ge [sflag:s17], $0x4000  }
0x103: {  	[sflag:s17] =	ssyncset.done $0x0  }
0x104: {  	[sflag:s17] =	ssyncadd.s32 $0xFFFFC000  }
0x105: {  	s19 =	sadd.s32 $0x1, s19  }
0x106: {  	_ =	swait.ge [sflag:s16], $0x4000;
	p0 =	sne.s32 s19, s8  }
.Ltmp3:
0x107: {  	[sflag:s16] =	ssyncset.done $0x0;
	(pc) =	sbr.rel @p0 .LBB2_1-.Ltmp3, $4  }
0x108: {  	[sflag:s16] =	ssyncadd.s32 $0xFFFFC000  }
0x109: {  	_ =	swait.ge [sflag:s16], $0x4000  }
0x10a: {  	[sflag:s16] =	ssyncset.done $0x0  }
0x10b: {  	[sflag:s16] =	ssyncadd.s32 $0xFFFFC000  }
0x10c: {  	_ =	sfence.sel $0x180000  }
0x10d: {  	[bflag:$0x0] =	sbarrier.arrive $0xFFFF  }
0x10e: {  	p0 =	sne.s32 s1, $0x0;
	_ =	strace $0x90000047  }
0x10f: {  	s0 =	sadd.s32 @!p0 $0x100000, s0;
	[bflag:$0x2] =	sbarrier.arrive $0xFFFF  }
0x110: {  	[sflag:s0] =	ssyncadd.tile.s32 @!p0 $0x1;
	_ =	shalt  }
.Lfunc_end2:
_tile_overlayer_lowered:
.L_overlay_start_2:
0x111: {  	(tag) =	ssettag $0x2  }
0x112: {  	s0 =	rddreg [dreg:$0x0];
	s2 =	stileid.u32  }
0x113: {  	s1 =	rddreg [dreg:$0x1];
	p0 =	sne.s32 s2, $0x0  }
0x114: {  	s3 =	rddreg [dreg:$0x2];
	[bflag:$0x3] =	sbarrier.arrive $0xFFFF;
	s2 =	simm.s32 @!p0 $0x1C04  }
0x115: {  	[timem:s3], [sflag:s2] =	dma.local @!p0 [hbm:s0], s1  }
0x116: {  	s0 =	simm.s32 @!p0 $0x4  }
0x117: {  	_ =	swait.ge @!p0 [sflag:s0], s1  }
0x118: {  	s1 =	ssub.s32 @!p0 $0x0, s1;
	[sflag:s0] =	ssyncset.done @!p0 $0x0  }
0x119: {  	[sflag:s0] =	ssyncadd.s32 @!p0 s1  }
0x11a: {  	[bflag:$0x3] =	sbarrier.arrive $0xFFFF  }
0x11b: {  	_ =	shalt  }

</sc_bundles>
